<compile_context>
chip_gen: v7x
topology: tpu7x:2x2x1
jax: 0.10.2.dev20260603
libtpu: 0.0.44.dev20260713+nightly
codegen_flags: <defaults>
</compile_context>

<pallas_src>
import functools
import math

import jax
import jax.numpy as jnp
from jax import lax
from jax.experimental import pallas as pl
from jax.experimental.pallas import tpu as pltpu
from jax.experimental.pallas import tpu_sc as plsc

ALPHA = 0.5
BETA = 0.5
SIGMA = 0.5
EPS = 1e-07
REP_DENOM = 1.0 - SIGMA - math.log(1.0 - SIGMA)

TP = 512
DPAD = 128
NC, NS = 2, 16
NW = NC * NS


def _rep_term(x):
    return jnp.where(x > SIGMA, (x - SIGMA) / REP_DENOM,
                     -jnp.log(jnp.maximum(1.0 - x, EPS)))


def _top2_kernel(gt_ref, pre_t_ref, i1_ref, i2_ref):
    G = gt_ref.shape[0]
    P = pre_t_ref.shape[1]
    fx1 = pre_t_ref[0:1, :]
    fy1 = pre_t_ref[1:2, :]
    fx2 = pre_t_ref[2:3, :]
    fy2 = pre_t_ref[3:4, :]
    farea = (fx2 - fx1 + 1.0) * (fy2 - fy1 + 1.0)
    gx1 = gt_ref[:, 0:1]
    gy1 = gt_ref[:, 1:2]
    gx2 = gt_ref[:, 2:3]
    gy2 = gt_ref[:, 3:4]
    garea = (gx2 - gx1 + 1.0) * (gy2 - gy1 + 1.0)
    w = jnp.maximum(jnp.minimum(gx2 + 1.0, fx2 + 1.0) - jnp.maximum(gx1, fx1),
                    0.0)
    h = jnp.maximum(jnp.minimum(gy2 + 1.0, fy2 + 1.0) - jnp.maximum(gy1, fy1),
                    0.0)
    ov = w * h
    iou = jnp.clip(ov / (garea + farea - ov), EPS, 1.0)
    rows = lax.broadcasted_iota(jnp.int32, (G, P), 0)
    v1 = jnp.max(iou, axis=0, keepdims=True)
    i1 = jnp.min(jnp.where(iou == v1, rows, G), axis=0, keepdims=True)
    iou_z = jnp.where(rows == i1, 0.0, iou)
    v2 = jnp.max(iou_z, axis=0, keepdims=True)
    i2 = jnp.min(jnp.where(iou_z == v2, rows, G), axis=0, keepdims=True)
    i1_ref[...] = i1
    i2_ref[...] = i2


def _sc_gather_body(table_hbm, i1_hbm, i2_hbm, out1_hbm, out2_hbm,
                    idx1_v, rows1_v, idx2_v, rows2_v, sem1, sem2):
    P = i1_hbm.shape[0]
    b_per_w = P // NW
    wid = lax.axis_index("s") * NC + lax.axis_index("c")
    base = wid * b_per_w
    pltpu.sync_copy(i1_hbm.at[pl.ds(base, b_per_w)], idx1_v)
    pltpu.sync_copy(i2_hbm.at[pl.ds(base, b_per_w)], idx2_v)
    c1 = pltpu.async_copy(table_hbm.at[idx1_v], rows1_v, sem1)
    c2 = pltpu.async_copy(table_hbm.at[idx2_v], rows2_v, sem2)
    c1.wait()
    c2.wait()
    pltpu.sync_copy(rows1_v, out1_hbm.at[pl.ds(base, b_per_w)])
    pltpu.sync_copy(rows2_v, out2_hbm.at[pl.ds(base, b_per_w)])


def _repbox_kernel(pre_ref, pre_t_ref, out_ref, acc_ref):
    j = pl.program_id(0)
    nj = pl.num_programs(0)
    bf16 = jnp.bfloat16

    @pl.when(j == 0)
    def _init():
        acc_ref[0] = 0.0
        acc_ref[1] = 0.0

    cs = pl.ds(j * TP, TP)
    cx1c = pre_ref[cs, 0:1]
    cy1c = pre_ref[cs, 1:2]
    cx2c = pre_ref[cs, 2:3]
    cy2c = pre_ref[cs, 3:4]
    careac = (cx2c - cx1c + 1.0) * (cy2c - cy1c + 1.0)
    bjx1 = jnp.broadcast_to(cx1c.astype(bf16), (TP, TP))
    bjy1 = jnp.broadcast_to(cy1c.astype(bf16), (TP, TP))
    bjx2p1 = jnp.broadcast_to((cx2c + 1.0).astype(bf16), (TP, TP))
    bjy2p1 = jnp.broadcast_to((cy2c + 1.0).astype(bf16), (TP, TP))
    bjarea = jnp.broadcast_to(careac.astype(bf16), (TP, TP))

    def _rep_block(x):
        lin = jnp.maximum(x - bf16(SIGMA), bf16(0.0))
        fac = jnp.where(x > bf16(SIGMA), bf16(1.0), bf16(1.0) - x)
        f = fac
        n = f.shape[0]
        while n > 8:
            n //= 2
            f = f[:n, :] * f[n:2 * n, :]
        s = lin
        n = s.shape[0]
        while n > 64:
            n //= 2
            s = s[:n, :] + s[n:2 * n, :]
        lin_s = jnp.sum(s.astype(jnp.float32))
        log_s = jnp.sum(jnp.log(f.astype(jnp.float32)))
        return lin_s, log_s

    def _pair_iou(rs, mask=None):
        rx1f = pre_t_ref[0:1, rs]
        ry1f = pre_t_ref[1:2, rs]
        rx2f = pre_t_ref[2:3, rs]
        ry2f = pre_t_ref[3:4, rs]
        rx1 = rx1f.astype(bf16)
        ry1 = ry1f.astype(bf16)
        rx2p1 = (rx2f + 1.0).astype(bf16)
        ry2p1 = (ry2f + 1.0).astype(bf16)
        rarea = ((rx2f - rx1f + 1.0) * (ry2f - ry1f + 1.0)).astype(bf16)
        bw = jnp.maximum(jnp.minimum(rx2p1, bjx2p1) - jnp.maximum(rx1, bjx1),
                         bf16(0.0))
        bh = jnp.maximum(jnp.minimum(ry2p1, bjy2p1) - jnp.maximum(ry1, bjy1),
                         bf16(0.0))
        bov = bw * bh
        if mask is not None:
            bov = jnp.where(mask, bf16(0.0), bov)
        return bov / (rarea + bjarea - bov)

    def body(i, carry):
        lin_acc, log_acc = carry
        ls, lg = _rep_block(_pair_iou(pl.ds(i * TP, TP)))
        return (lin_acc + ls, log_acc + lg)

    lin_p, log_p = lax.fori_loop(0, j, body,
                                 (jnp.float32(0.0), jnp.float32(0.0)))
    lrow = lax.broadcasted_iota(jnp.int32, (TP, TP), 0)
    lcol = lax.broadcasted_iota(jnp.int32, (TP, TP), 1)
    ls_d, lg_d = _rep_block(_pair_iou(pl.ds(j * TP, TP), mask=lcol >= lrow))
    acc_ref[0] += lin_p + ls_d
    acc_ref[1] += log_p + lg_d

    @pl.when(j == nj - 1)
    def _emit():
        out_ref[0, 0] = acc_ref[0]
        out_ref[0, 1] = acc_ref[1]


def _attr_repgt_kernel(pre_rs_ref, ga_rs_ref, pre_t_ref, gr_ref, out_ref):
    P = pre_t_ref.shape[1]
    diff = jnp.abs(pre_rs_ref[...] - ga_rs_ref[...])
    sl1 = jnp.where(diff < 1.0, 0.5 * diff * diff, diff - 0.5)
    attr_p = jnp.sum(sl1)

    gx1 = jnp.reshape(gr_ref[:, 0:1], (1, P))
    gy1 = jnp.reshape(gr_ref[:, 1:2], (1, P))
    gx2 = jnp.reshape(gr_ref[:, 2:3], (1, P))
    gy2 = jnp.reshape(gr_ref[:, 3:4], (1, P))
    px1 = pre_t_ref[0:1, :]
    py1 = pre_t_ref[1:2, :]
    px2 = pre_t_ref[2:3, :]
    py2 = pre_t_ref[3:4, :]
    iw = jnp.maximum(jnp.minimum(px2, gx2) - jnp.maximum(px1, gx1), 0.0)
    ih = jnp.maximum(jnp.minimum(py2, gy2) - jnp.maximum(py1, gy1), 0.0)
    g_area = jnp.abs(gx2 - gx1) * jnp.abs(gy2 - gy1)
    iog = iw * ih / g_area
    out_ref[0, 0] = attr_p
    out_ref[0, 1] = jnp.sum(_rep_term(iog))


def kernel(gt_boxes, pre_boxes):
    G = gt_boxes.shape[0]
    P = pre_boxes.shape[0]
    nj = P // TP
    f32 = jnp.float32

    def _xyxy(b):
        x, y, w, h = b[:, 0:1], b[:, 1:2], b[:, 2:3], b[:, 3:4]
        return jnp.concatenate(
            [x - w / 2.0, y - h / 2.0, x + w / 2.0, y + h / 2.0], axis=1)

    gt = _xyxy(gt_boxes)
    pre = _xyxy(pre_boxes)
    pre_t = jnp.transpose(pre)
    gt_pad = jnp.pad(gt, ((0, 0), (0, DPAD - 4)))
    pre_pad_rs = jnp.pad(pre, ((0, 0), (0, DPAD - 4))).reshape(
        P * DPAD // 256, 256)

    i1, i2 = pl.pallas_call(
        _top2_kernel,
        in_specs=[pl.BlockSpec(memory_space=pltpu.VMEM),
                  pl.BlockSpec(memory_space=pltpu.VMEM)],
        out_specs=[pl.BlockSpec(memory_space=pltpu.VMEM),
                   pl.BlockSpec(memory_space=pltpu.VMEM)],
        out_shape=[jax.ShapeDtypeStruct((1, P), jnp.int32),
                   jax.ShapeDtypeStruct((1, P), jnp.int32)],
    )(gt, pre_t)

    b_per_w = P // NW
    sc_gather = pl.kernel(
        _sc_gather_body,
        out_type=[jax.ShapeDtypeStruct((P, DPAD), f32),
                  jax.ShapeDtypeStruct((P, DPAD), f32)],
        mesh=plsc.VectorSubcoreMesh(core_axis_name="c", subcore_axis_name="s"),
        scratch_types=[
            pltpu.VMEM((b_per_w,), jnp.int32),
            pltpu.VMEM((b_per_w, DPAD), f32),
            pltpu.VMEM((b_per_w,), jnp.int32),
            pltpu.VMEM((b_per_w, DPAD), f32),
            pltpu.SemaphoreType.DMA,
            pltpu.SemaphoreType.DMA,
        ],
    )
    ga, gr = sc_gather(gt_pad, i1.reshape(P), i2.reshape(P))

    repbox = pl.pallas_call(
        _repbox_kernel,
        grid=(nj,),
        in_specs=[pl.BlockSpec(memory_space=pltpu.VMEM),
                  pl.BlockSpec(memory_space=pltpu.VMEM)],
        out_specs=pl.BlockSpec(memory_space=pltpu.SMEM),
        out_shape=jax.ShapeDtypeStruct((1, 2), f32),
        scratch_shapes=[pltpu.SMEM((2,), f32)],
    )(pre, pre_t)

    ar = pl.pallas_call(
        _attr_repgt_kernel,
        in_specs=[pl.BlockSpec(memory_space=pltpu.VMEM),
                  pl.BlockSpec(memory_space=pltpu.VMEM),
                  pl.BlockSpec(memory_space=pltpu.VMEM),
                  pl.BlockSpec(memory_space=pltpu.VMEM)],
        out_specs=pl.BlockSpec(memory_space=pltpu.SMEM),
        out_shape=jax.ShapeDtypeStruct((1, 2), f32),
    )(pre_pad_rs, ga.reshape(P * DPAD // 256, 256), pre_t, gr[:, 0:4])

    cnt = P * (P - 1) / 2.0
    repbox_loss = (repbox[0, 0] / REP_DENOM - repbox[0, 1]) / cnt
    return (ar[0, 0] / P + ALPHA * (ar[0, 1] / P)
            + BETA * repbox_loss).reshape(())

# --- scband reference (transcript-rebuilt; emitter-appended) ---
"""Pipeline reference for scband-rep-loss-10926396801199 (READ-ONLY COPY).

The authoritative reference and input builder live on the scoring server;
editing this copy changes nothing except your own understanding.
"""

import jax, jax.numpy as jnp
import numpy as np

ALPHA = 0.5
BETA = 0.5
SIGMA = 0.5
EPS = 1e-07
REP_DENOM = 1.0 - SIGMA - np.log(1.0 - SIGMA)


def _xywh2xyxy(b):
    x, y, w, h = b[:, 0], b[:, 1], b[:, 2], b[:, 3]
    return jnp.stack([x - w / 2.0, y - h / 2.0, x + w / 2.0, y + h / 2.0], axis=1)


def _bbox_iou_xyxy(b1, b2, eps=1e-07):
    lt = jnp.maximum(b1[:, None, :2], b2[None, :, :2])
    rb = jnp.minimum(b1[:, None, 2:], b2[None, :, 2:])
    wh = jnp.maximum(rb - lt + 1.0, 0.0)
    overlap = wh[:, :, 0] * wh[:, :, 1]
    area1 = (b1[:, 2] - b1[:, 0] + 1.0) * (b1[:, 3] - b1[:, 1] + 1.0)
    area2 = (b2[:, 2] - b2[:, 0] + 1.0) * (b2[:, 3] - b2[:, 1] + 1.0)
    ious = overlap / jnp.maximum(area1[:, None] + area2[None, :] - overlap, eps)
    return jnp.clip(ious, eps, 1.0)


def _smooth_l1(pred, target, beta=1.0):
    diff = jnp.abs(pred - target)
    return jnp.where(diff < beta, 0.5 * diff ** 2 / beta, diff - 0.5 * beta)


def _iog(box1, box2):
    iw = jnp.maximum(jnp.minimum(box1[:, 2], box2[:, 2]) - jnp.maximum(box1[:, 0], box2[:, 0]), 0.0)
    ih = jnp.maximum(jnp.minimum(box1[:, 3], box2[:, 3]) - jnp.maximum(box1[:, 1], box2[:, 1]), 0.0)
    inter = iw * ih
    g_area = jnp.abs(box2[:, 2] - box2[:, 0]) * jnp.abs(box2[:, 3] - box2[:, 1])
    return inter / g_area


def _rep_term(x):
    return jnp.where(x > SIGMA, (x - SIGMA) / REP_DENOM, -jnp.log(jnp.maximum(1.0 - x, EPS)))


def _rep_loss(gt_boxes, pre_boxes):
    # torch version converts xywh -> xyxy IN-PLACE inside the first bbox_iou call;
    # all later uses of gt_boxes/pre_boxes therefore see xyxy boxes.
    gt = _xywh2xyxy(gt_boxes)
    pre = _xywh2xyxy(pre_boxes)
    P = pre.shape[0]
    box_iou = _bbox_iou_xyxy(gt, pre)
    proposal_overlaps = _bbox_iou_xyxy(pre, pre)
    max_attr = jnp.max(box_iou, axis=0)
    max_attr_index = jnp.argmax(box_iou, axis=0)
    GT_attr = gt[max_attr_index]
    box_iou_z = box_iou.at[max_attr_index, jnp.arange(P)].set(0.0)
    max_rep_index = jnp.argmax(box_iou_z, axis=0)
    GT_rep = gt[max_rep_index]
    # Attr(pre_boxes, GT_attr): sum of per-box SmoothL1 tensors, then .sum()/P
    attr_loss = jnp.sum(_smooth_l1(pre, GT_attr)) / P
    # RepGT(pre_boxes, GT_rep): per-proposal IoG with its 2nd-best GT
    iog = _iog(pre, GT_rep)
    repgt_loss = jnp.sum(_rep_term(iog)) / P
    # RepBox: all i<j proposal pairs
    mask = jnp.triu(jnp.ones((P, P), dtype=bool), k=1)
    count = P * (P - 1) / 2.0
    repbox_loss = jnp.sum(jnp.where(mask, _rep_term(proposal_overlaps), 0.0)) / count
    return attr_loss + ALPHA * repgt_loss + BETA * repbox_loss


def setup_inputs(seed: int = 0):
    key = jax.random.key(seed)
    k1, k2, k3, k4 = jax.random.split(key, 4)
    G, P = 512, 2048
    gt_xy = jax.random.uniform(k1, (G, 2), dtype=jnp.float32, minval=0.0, maxval=512.0)
    gt_wh = jax.random.uniform(k2, (G, 2), dtype=jnp.float32, minval=16.0, maxval=128.0)
    pre_xy = jax.random.uniform(k3, (P, 2), dtype=jnp.float32, minval=0.0, maxval=512.0)
    pre_wh = jax.random.uniform(k4, (P, 2), dtype=jnp.float32, minval=16.0, maxval=128.0)
    gt_boxes = jnp.concatenate([gt_xy, gt_wh], axis=1)
    pre_boxes = jnp.concatenate([pre_xy, pre_wh], axis=1)
    return {"gt_boxes": gt_boxes, "pre_boxes": pre_boxes}


def reference(gt_boxes, pre_boxes):
    return _rep_loss(gt_boxes, pre_boxes)

if __name__ == "__main__":
    import jax
    _d = setup_inputs()
    print(jax.jit(kernel)(*tuple(_d.values())))

</pallas_src>

<mosaic_0001>
#map = affine_map<(d0, d1) -> (0, 0)>
#map1 = affine_map<(d0, d1) -> (0)>
module attributes {stable_mosaic.version = 14 : i64} {
  func.func @_sc_gather_body(%arg0: i32, %arg1: i32, %arg2: memref<512x128xf32, #tpu.memory_space<hbm>>, %arg3: memref<2048xi32, #tpu.memory_space<hbm>>, %arg4: memref<2048xi32, #tpu.memory_space<hbm>>, %arg5: memref<2048x128xf32, #tpu.memory_space<hbm>>, %arg6: memref<2048x128xf32, #tpu.memory_space<hbm>>, %arg7: memref<64xi32, #tpu.memory_space<vmem>>, %arg8: memref<64x128xf32, #tpu.memory_space<vmem>>, %arg9: memref<64xi32, #tpu.memory_space<vmem>>, %arg10: memref<64x128xf32, #tpu.memory_space<vmem>>, %arg11: memref<!tpu.dma_semaphore, #tpu.memory_space<semaphore_mem>>, %arg12: memref<!tpu.dma_semaphore, #tpu.memory_space<semaphore_mem>>) attributes {dimension_semantics = [#tpu.dimension_semantics<core_parallel>, #tpu.dimension_semantics<subcore_parallel>], iteration_bounds = array<i64: 2, 16>, scalar_prefetch = 0 : i64, scratch_operands = 6 : i64, tpu.core_type = #tpu.core_type<sc_vector_subcore>, window_params = [{transform_indices = #map}, {transform_indices = #map1}, {transform_indices = #map1}, {transform_indices = #map}, {transform_indices = #map}]} {
    %mul3A = arith.constant 2 : i32
    %mul3A_0 = arith.muli %arg1, %mul3A : i32
    %add3A = arith.addi %mul3A_0, %arg0 : i32
    %mul3A_1 = arith.constant 64 : i32
    %mul3A_2 = arith.muli %add3A, %mul3A_1 : i32
    "tpu.region"() ({
      %run_scoped3A = tpu.sem_alloc : memref<!tpu.dma_semaphore, #tpu.memory_space<semaphore_mem>>
      %dma_start3A_13 = tpu.memref_slice %arg3[%mul3A_2] : memref<2048xi32, #tpu.memory_space<hbm>> -> memref<64xi32, #tpu.memory_space<hbm>>
      %dma_start3A_14 = tpu.memref_slice %arg3[%mul3A_2] : memref<2048xi32, #tpu.memory_space<hbm>> -> memref<64xi32, #tpu.memory_space<hbm>>
      tpu.enqueue_dma source(%dma_start3A_14 : memref<64xi32, #tpu.memory_space<hbm>>) target(%arg7 : memref<64xi32, #tpu.memory_space<vmem>>) target_semaphore(%run_scoped3A : memref<!tpu.dma_semaphore, #tpu.memory_space<semaphore_mem>>)
      %dma_wait3A_15 = tpu.memref_slice %arg3[%mul3A_2] : memref<2048xi32, #tpu.memory_space<hbm>> -> memref<64xi32, #tpu.memory_space<hbm>>
      %dma_wait3A_16 = tpu.memref_slice %arg3[%mul3A_2] : memref<2048xi32, #tpu.memory_space<hbm>> -> memref<64xi32, #tpu.memory_space<hbm>>
      tpu.wait_dma2 semaphore(%run_scoped3A : memref<!tpu.dma_semaphore, #tpu.memory_space<semaphore_mem>>) src(%dma_wait3A_16 : memref<64xi32, #tpu.memory_space<hbm>>) dst(%arg7 : memref<64xi32, #tpu.memory_space<vmem>>)
      tpu.yield
    }) : () -> ()
    "tpu.region"() ({
      %run_scoped3A = tpu.sem_alloc : memref<!tpu.dma_semaphore, #tpu.memory_space<semaphore_mem>>
      %dma_start3A_13 = tpu.memref_slice %arg4[%mul3A_2] : memref<2048xi32, #tpu.memory_space<hbm>> -> memref<64xi32, #tpu.memory_space<hbm>>
      %dma_start3A_14 = tpu.memref_slice %arg4[%mul3A_2] : memref<2048xi32, #tpu.memory_space<hbm>> -> memref<64xi32, #tpu.memory_space<hbm>>
      tpu.enqueue_dma source(%dma_start3A_14 : memref<64xi32, #tpu.memory_space<hbm>>) target(%arg9 : memref<64xi32, #tpu.memory_space<vmem>>) target_semaphore(%run_scoped3A : memref<!tpu.dma_semaphore, #tpu.memory_space<semaphore_mem>>)
      %dma_wait3A_15 = tpu.memref_slice %arg4[%mul3A_2] : memref<2048xi32, #tpu.memory_space<hbm>> -> memref<64xi32, #tpu.memory_space<hbm>>
      %dma_wait3A_16 = tpu.memref_slice %arg4[%mul3A_2] : memref<2048xi32, #tpu.memory_space<hbm>> -> memref<64xi32, #tpu.memory_space<hbm>>
      tpu.wait_dma2 semaphore(%run_scoped3A : memref<!tpu.dma_semaphore, #tpu.memory_space<semaphore_mem>>) src(%dma_wait3A_16 : memref<64xi32, #tpu.memory_space<hbm>>) dst(%arg9 : memref<64xi32, #tpu.memory_space<vmem>>)
      tpu.yield
    }) : () -> ()
    %dma_start3A = arith.constant 0 : i32
    %dma_start3A_3 = arith.constant 0 : i32
    %dma_start3A_4 = tpu.memref_slice %arg2[%dma_start3A, %dma_start3A_3] : memref<512x128xf32, #tpu.memory_space<hbm>> -> memref<512x128xf32, #tpu.memory_space<hbm>>
    tpu.enqueue_indirect_dma source(%dma_start3A_4 : memref<512x128xf32, #tpu.memory_space<hbm>>) target(%arg8 : memref<64x128xf32, #tpu.memory_space<vmem>>) offsets(%arg7 : memref<64xi32, #tpu.memory_space<vmem>>) semaphore(%arg11 : memref<!tpu.dma_semaphore, #tpu.memory_space<semaphore_mem>>)
    %dma_start3A_5 = arith.constant 0 : i32
    %dma_start3A_6 = arith.constant 0 : i32
    %dma_start3A_7 = tpu.memref_slice %arg2[%dma_start3A_5, %dma_start3A_6] : memref<512x128xf32, #tpu.memory_space<hbm>> -> memref<512x128xf32, #tpu.memory_space<hbm>>
    tpu.enqueue_indirect_dma source(%dma_start3A_7 : memref<512x128xf32, #tpu.memory_space<hbm>>) target(%arg10 : memref<64x128xf32, #tpu.memory_space<vmem>>) offsets(%arg9 : memref<64xi32, #tpu.memory_space<vmem>>) semaphore(%arg12 : memref<!tpu.dma_semaphore, #tpu.memory_space<semaphore_mem>>)
    %dma_wait3A = arith.constant 0 : i32
    %dma_wait3A_8 = arith.constant 0 : i32
    %dma_wait3A_9 = tpu.memref_slice %arg2[%dma_wait3A, %dma_wait3A_8] : memref<512x128xf32, #tpu.memory_space<hbm>> -> memref<512x128xf32, #tpu.memory_space<hbm>>
    tpu.wait_indirect_dma semaphore(%arg11 : memref<!tpu.dma_semaphore, #tpu.memory_space<semaphore_mem>>) src(%dma_wait3A_9 : memref<512x128xf32, #tpu.memory_space<hbm>>) dst(%arg8 : memref<64x128xf32, #tpu.memory_space<vmem>>)
    %dma_wait3A_10 = arith.constant 0 : i32
    %dma_wait3A_11 = arith.constant 0 : i32
    %dma_wait3A_12 = tpu.memref_slice %arg2[%dma_wait3A_10, %dma_wait3A_11] : memref<512x128xf32, #tpu.memory_space<hbm>> -> memref<512x128xf32, #tpu.memory_space<hbm>>
    tpu.wait_indirect_dma semaphore(%arg12 : memref<!tpu.dma_semaphore, #tpu.memory_space<semaphore_mem>>) src(%dma_wait3A_12 : memref<512x128xf32, #tpu.memory_space<hbm>>) dst(%arg10 : memref<64x128xf32, #tpu.memory_space<vmem>>)
    "tpu.region"() ({
      %run_scoped3A = tpu.sem_alloc : memref<!tpu.dma_semaphore, #tpu.memory_space<semaphore_mem>>
      %dma_start3A_13 = arith.constant 0 : i32
      %dma_start3A_14 = tpu.memref_slice %arg5[%mul3A_2, %dma_start3A_13] : memref<2048x128xf32, #tpu.memory_space<hbm>> -> memref<64x128xf32, #tpu.memory_space<hbm>>
      %dma_start3A_15 = arith.constant 0 : i32
      %dma_start3A_16 = tpu.memref_slice %arg5[%mul3A_2, %dma_start3A_15] : memref<2048x128xf32, #tpu.memory_space<hbm>> -> memref<64x128xf32, #tpu.memory_space<hbm>>
      tpu.enqueue_dma source(%arg8 : memref<64x128xf32, #tpu.memory_space<vmem>>) target(%dma_start3A_16 : memref<64x128xf32, #tpu.memory_space<hbm>>) target_semaphore(%run_scoped3A : memref<!tpu.dma_semaphore, #tpu.memory_space<semaphore_mem>>)
      %dma_wait3A_17 = arith.constant 0 : i32
      %dma_wait3A_18 = tpu.memref_slice %arg5[%mul3A_2, %dma_wait3A_17] : memref<2048x128xf32, #tpu.memory_space<hbm>> -> memref<64x128xf32, #tpu.memory_space<hbm>>
      %dma_wait3A_19 = arith.constant 0 : i32
      %dma_wait3A_20 = tpu.memref_slice %arg5[%mul3A_2, %dma_wait3A_19] : memref<2048x128xf32, #tpu.memory_space<hbm>> -> memref<64x128xf32, #tpu.memory_space<hbm>>
      tpu.wait_dma2 semaphore(%run_scoped3A : memref<!tpu.dma_semaphore, #tpu.memory_space<semaphore_mem>>) src(%arg8 : memref<64x128xf32, #tpu.memory_space<vmem>>) dst(%dma_wait3A_20 : memref<64x128xf32, #tpu.memory_space<hbm>>)
      tpu.yield
    }) : () -> ()
    "tpu.region"() ({
      %run_scoped3A = tpu.sem_alloc : memref<!tpu.dma_semaphore, #tpu.memory_space<semaphore_mem>>
      %dma_start3A_13 = arith.constant 0 : i32
      %dma_start3A_14 = tpu.memref_slice %arg6[%mul3A_2, %dma_start3A_13] : memref<2048x128xf32, #tpu.memory_space<hbm>> -> memref<64x128xf32, #tpu.memory_space<hbm>>
      %dma_start3A_15 = arith.constant 0 : i32
      %dma_start3A_16 = tpu.memref_slice %arg6[%mul3A_2, %dma_start3A_15] : memref<2048x128xf32, #tpu.memory_space<hbm>> -> memref<64x128xf32, #tpu.memory_space<hbm>>
      tpu.enqueue_dma source(%arg10 : memref<64x128xf32, #tpu.memory_space<vmem>>) target(%dma_start3A_16 : memref<64x128xf32, #tpu.memory_space<hbm>>) target_semaphore(%run_scoped3A : memref<!tpu.dma_semaphore, #tpu.memory_space<semaphore_mem>>)
      %dma_wait3A_17 = arith.constant 0 : i32
      %dma_wait3A_18 = tpu.memref_slice %arg6[%mul3A_2, %dma_wait3A_17] : memref<2048x128xf32, #tpu.memory_space<hbm>> -> memref<64x128xf32, #tpu.memory_space<hbm>>
      %dma_wait3A_19 = arith.constant 0 : i32
      %dma_wait3A_20 = tpu.memref_slice %arg6[%mul3A_2, %dma_wait3A_19] : memref<2048x128xf32, #tpu.memory_space<hbm>> -> memref<64x128xf32, #tpu.memory_space<hbm>>
      tpu.wait_dma2 semaphore(%run_scoped3A : memref<!tpu.dma_semaphore, #tpu.memory_space<semaphore_mem>>) src(%arg10 : memref<64x128xf32, #tpu.memory_space<vmem>>) dst(%dma_wait3A_20 : memref<64x128xf32, #tpu.memory_space<hbm>>)
      tpu.yield
    }) : () -> ()
    return
  }
}

module attributes {stable_mosaic.version = 14 : i64} {
  func.func @_top2_kernel(%arg0: memref<512x4xf32, #tpu.memory_space<vmem>>, %arg1: memref<4x2048xf32, #tpu.memory_space<vmem>>, %arg2: memref<1x2048xi32, #tpu.memory_space<vmem>>, %arg3: memref<1x2048xi32, #tpu.memory_space<vmem>>) attributes {dimension_semantics = [], scalar_prefetch = 0 : i64, scratch_operands = 0 : i64, tpu.core_type = #tpu.core_type<tc>} {
    %get3A = arith.constant 0 : index
    %get3A_0 = arith.constant 0 : index
    %get3A_1 = vector.load %arg1[%get3A, %get3A_0] : memref<4x2048xf32, #tpu.memory_space<vmem>>, vector<1x2048xf32>
    %get3A_2 = arith.constant 1 : index
    %get3A_3 = arith.constant 0 : index
    %get3A_4 = vector.load %arg1[%get3A_2, %get3A_3] : memref<4x2048xf32, #tpu.memory_space<vmem>>, vector<1x2048xf32>
    %get3A_5 = arith.constant 2 : index
    %get3A_6 = arith.constant 0 : index
    %get3A_7 = vector.load %arg1[%get3A_5, %get3A_6] : memref<4x2048xf32, #tpu.memory_space<vmem>>, vector<1x2048xf32>
    %get3A_8 = arith.constant 3 : index
    %get3A_9 = arith.constant 0 : index
    %get3A_10 = vector.load %arg1[%get3A_8, %get3A_9] : memref<4x2048xf32, #tpu.memory_space<vmem>>, vector<1x2048xf32>
    %sub3A = arith.subf %get3A_7, %get3A_1 : vector<1x2048xf32>
    %add3A = arith.constant 1.000000e+00 : f32
    %add3A_11 = vector.broadcast %add3A : f32 to vector<1x2048xf32>
    %add3A_12 = arith.addf %sub3A, %add3A_11 : vector<1x2048xf32>
    %sub3A_13 = arith.subf %get3A_10, %get3A_4 : vector<1x2048xf32>
    %add3A_14 = arith.constant 1.000000e+00 : f32
    %add3A_15 = vector.broadcast %add3A_14 : f32 to vector<1x2048xf32>
    %add3A_16 = arith.addf %sub3A_13, %add3A_15 : vector<1x2048xf32>
    %mul3A = arith.mulf %add3A_12, %add3A_16 : vector<1x2048xf32>
    %get3A_17 = arith.constant 0 : index
    %get3A_18 = arith.constant 0 : index
    %get3A_19 = vector.load %arg0[%get3A_17, %get3A_18] : memref<512x4xf32, #tpu.memory_space<vmem>>, vector<512x1xf32>
    %get3A_20 = arith.constant 0 : index
    %get3A_21 = arith.constant 1 : index
    %get3A_22 = vector.load %arg0[%get3A_20, %get3A_21] : memref<512x4xf32, #tpu.memory_space<vmem>>, vector<512x1xf32>
    %get3A_23 = arith.constant 0 : index
    %get3A_24 = arith.constant 2 : index
    %get3A_25 = vector.load %arg0[%get3A_23, %get3A_24] : memref<512x4xf32, #tpu.memory_space<vmem>>, vector<512x1xf32>
    %get3A_26 = arith.constant 0 : index
    %get3A_27 = arith.constant 3 : index
    %get3A_28 = vector.load %arg0[%get3A_26, %get3A_27] : memref<512x4xf32, #tpu.memory_space<vmem>>, vector<512x1xf32>
    %sub3A_29 = arith.subf %get3A_25, %get3A_19 : vector<512x1xf32>
    %add3A_30 = arith.constant 1.000000e+00 : f32
    %add3A_31 = vector.broadcast %add3A_30 : f32 to vector<512x1xf32>
    %add3A_32 = arith.addf %sub3A_29, %add3A_31 : vector<512x1xf32>
    %sub3A_33 = arith.subf %get3A_28, %get3A_22 : vector<512x1xf32>
    %add3A_34 = arith.constant 1.000000e+00 : f32
    %add3A_35 = vector.broadcast %add3A_34 : f32 to vector<512x1xf32>
    %add3A_36 = arith.addf %sub3A_33, %add3A_35 : vector<512x1xf32>
    %mul3A_37 = arith.mulf %add3A_32, %add3A_36 : vector<512x1xf32>
    %add3A_38 = arith.constant 1.000000e+00 : f32
    %add3A_39 = vector.broadcast %add3A_38 : f32 to vector<512x1xf32>
    %add3A_40 = arith.addf %get3A_25, %add3A_39 : vector<512x1xf32>
    %add3A_41 = arith.constant 1.000000e+00 : f32
    %add3A_42 = vector.broadcast %add3A_41 : f32 to vector<1x2048xf32>
    %add3A_43 = arith.addf %get3A_7, %add3A_42 : vector<1x2048xf32>
    %min3A = vector.broadcast %add3A_40 : vector<512x1xf32> to vector<512x2048xf32>
    %min3A_44 = vector.broadcast %add3A_43 : vector<1x2048xf32> to vector<512x2048xf32>
    %min3A_45 = arith.minimumf %min3A, %min3A_44 : vector<512x2048xf32>
    %max3A = vector.broadcast %get3A_19 : vector<512x1xf32> to vector<512x2048xf32>
    %max3A_46 = vector.broadcast %get3A_1 : vector<1x2048xf32> to vector<512x2048xf32>
    %max3A_47 = arith.maximumf %max3A, %max3A_46 : vector<512x2048xf32>
    %sub3A_48 = arith.subf %min3A_45, %max3A_47 : vector<512x2048xf32>
    %max3A_49 = arith.constant 0.000000e+00 : f32
    %max3A_50 = vector.broadcast %max3A_49 : f32 to vector<512x2048xf32>
    %max3A_51 = arith.maximumf %sub3A_48, %max3A_50 : vector<512x2048xf32>
    %add3A_52 = arith.constant 1.000000e+00 : f32
    %add3A_53 = vector.broadcast %add3A_52 : f32 to vector<512x1xf32>
    %add3A_54 = arith.addf %get3A_28, %add3A_53 : vector<512x1xf32>
    %add3A_55 = arith.constant 1.000000e+00 : f32
    %add3A_56 = vector.broadcast %add3A_55 : f32 to vector<1x2048xf32>
    %add3A_57 = arith.addf %get3A_10, %add3A_56 : vector<1x2048xf32>
    %min3A_58 = vector.broadcast %add3A_54 : vector<512x1xf32> to vector<512x2048xf32>
    %min3A_59 = vector.broadcast %add3A_57 : vector<1x2048xf32> to vector<512x2048xf32>
    %min3A_60 = arith.minimumf %min3A_58, %min3A_59 : vector<512x2048xf32>
    %max3A_61 = vector.broadcast %get3A_22 : vector<512x1xf32> to vector<512x2048xf32>
    %max3A_62 = vector.broadcast %get3A_4 : vector<1x2048xf32> to vector<512x2048xf32>
    %max3A_63 = arith.maximumf %max3A_61, %max3A_62 : vector<512x2048xf32>
    %sub3A_64 = arith.subf %min3A_60, %max3A_63 : vector<512x2048xf32>
    %max3A_65 = arith.constant 0.000000e+00 : f32
    %max3A_66 = vector.broadcast %max3A_65 : f32 to vector<512x2048xf32>
    %max3A_67 = arith.maximumf %sub3A_64, %max3A_66 : vector<512x2048xf32>
    %mul3A_68 = arith.mulf %max3A_51, %max3A_67 : vector<512x2048xf32>
    %add3A_69 = vector.broadcast %mul3A_37 : vector<512x1xf32> to vector<512x2048xf32>
    %add3A_70 = vector.broadcast %mul3A : vector<1x2048xf32> to vector<512x2048xf32>
    %add3A_71 = arith.addf %add3A_69, %add3A_70 : vector<512x2048xf32>
    %sub3A_72 = arith.subf %add3A_71, %mul3A_68 : vector<512x2048xf32>
    %div3A = arith.divf %mul3A_68, %sub3A_72 : vector<512x2048xf32>
    %jit3A = arith.constant 1.000000e-07 : f32
    %jit3A_73 = arith.constant 1.000000e+00 : f32
    %max3A_74 = vector.broadcast %jit3A : f32 to vector<512x2048xf32>
    %max3A_75 = arith.maximumf %max3A_74, %div3A : vector<512x2048xf32>
    %min3A_76 = vector.broadcast %jit3A_73 : f32 to vector<512x2048xf32>
    %min3A_77 = arith.minimumf %min3A_76, %max3A_75 : vector<512x2048xf32>
    %iota3A = tpu.iota {dimensions = array<i32: 0>} : vector<512x2048xi32>
    %reduce_max3A = arith.constant dense<0xFF800000> : vector<2048xf32>
    %reduce_max3A_78 = vector.multi_reduction <maximumf>, %min3A_77, %reduce_max3A [0] : vector<512x2048xf32> to vector<2048xf32>
    %broadcast_in_dim3A = vector.shape_cast %reduce_max3A_78 : vector<2048xf32> to vector<1x2048xf32>
    %eq3A = vector.broadcast %broadcast_in_dim3A : vector<1x2048xf32> to vector<512x2048xf32>
    %eq3A_79 = arith.cmpf oeq, %min3A_77, %eq3A : vector<512x2048xf32>
    %jit3A_80 = arith.constant 512 : i32
    %broadcast_in_dim3A_81 = vector.broadcast %jit3A_80 : i32 to vector<512x2048xi32>
    %select_n3A = arith.select %eq3A_79, %iota3A, %broadcast_in_dim3A_81 : vector<512x2048xi1>, vector<512x2048xi32>
    %reduce_min3A = arith.constant dense<2147483647> : vector<2048xi32>
    %reduce_min3A_82 = vector.multi_reduction <minsi>, %select_n3A, %reduce_min3A [0] : vector<512x2048xi32> to vector<2048xi32>
    %broadcast_in_dim3A_83 = vector.shape_cast %reduce_min3A_82 : vector<2048xi32> to vector<1x2048xi32>
    %eq3A_84 = vector.broadcast %broadcast_in_dim3A_83 : vector<1x2048xi32> to vector<512x2048xi32>
    %eq3A_85 = arith.cmpi eq, %iota3A, %eq3A_84 : vector<512x2048xi32>
    %jit3A_86 = arith.constant 0.000000e+00 : f32
    %broadcast_in_dim3A_87 = vector.broadcast %jit3A_86 : f32 to vector<512x2048xf32>
    %select_n3A_88 = arith.select %eq3A_85, %broadcast_in_dim3A_87, %min3A_77 : vector<512x2048xi1>, vector<512x2048xf32>
    %reduce_max3A_89 = arith.constant dense<0xFF800000> : vector<2048xf32>
    %reduce_max3A_90 = vector.multi_reduction <maximumf>, %select_n3A_88, %reduce_max3A_89 [0] : vector<512x2048xf32> to vector<2048xf32>
    %broadcast_in_dim3A_91 = vector.shape_cast %reduce_max3A_90 : vector<2048xf32> to vector<1x2048xf32>
    %eq3A_92 = vector.broadcast %broadcast_in_dim3A_91 : vector<1x2048xf32> to vector<512x2048xf32>
    %eq3A_93 = arith.cmpf oeq, %select_n3A_88, %eq3A_92 : vector<512x2048xf32>
    %jit3A_94 = arith.constant 512 : i32
    %broadcast_in_dim3A_95 = vector.broadcast %jit3A_94 : i32 to vector<512x2048xi32>
    %select_n3A_96 = arith.select %eq3A_93, %iota3A, %broadcast_in_dim3A_95 : vector<512x2048xi1>, vector<512x2048xi32>
    %reduce_min3A_97 = arith.constant dense<2147483647> : vector<2048xi32>
    %reduce_min3A_98 = vector.multi_reduction <minsi>, %select_n3A_96, %reduce_min3A_97 [0] : vector<512x2048xi32> to vector<2048xi32>
    %broadcast_in_dim3A_99 = vector.shape_cast %reduce_min3A_98 : vector<2048xi32> to vector<1x2048xi32>
    %swap3A = arith.constant 0 : index
    %swap3A_100 = arith.constant 0 : index
    %swap3A_101 = vector.load %arg2[%swap3A, %swap3A_100] : memref<1x2048xi32, #tpu.memory_space<vmem>>, vector<1x2048xi32>
    tpu.vector_store %arg2[%swap3A, %swap3A_100], %broadcast_in_dim3A_83 {strides = array<i32>} : memref<1x2048xi32, #tpu.memory_space<vmem>>, vector<1x2048xi32>,
    %swap3A_102 = arith.constant 0 : index
    %swap3A_103 = arith.constant 0 : index
    %swap3A_104 = vector.load %arg3[%swap3A_102, %swap3A_103] : memref<1x2048xi32, #tpu.memory_space<vmem>>, vector<1x2048xi32>
    tpu.vector_store %arg3[%swap3A_102, %swap3A_103], %broadcast_in_dim3A_99 {strides = array<i32>} : memref<1x2048xi32, #tpu.memory_space<vmem>>, vector<1x2048xi32>,
    return
  }
}

module attributes {stable_mosaic.version = 14 : i64} {
  func.func @_repbox_kernel(%arg0: i32, %arg1: memref<2048x4xf32, #tpu.memory_space<vmem>>, %arg2: memref<4x2048xf32, #tpu.memory_space<vmem>>, %arg3: memref<1x2xf32, #tpu.memory_space<smem>>, %arg4: memref<2xf32, #tpu.memory_space<smem>>) attributes {dimension_semantics = [#tpu.dimension_semantics<arbitrary>], iteration_bounds = array<i64: 4>, scalar_prefetch = 0 : i64, scratch_operands = 1 : i64, tpu.core_type = #tpu.core_type<tc>, window_params = [{pipeline_mode = #tpu.pipeline_mode<synchronous>, transform_indices = @transform_0, window_bounds = array<i64: 2048, 4>}, {pipeline_mode = #tpu.pipeline_mode<synchronous>, transform_indices = @transform_1, window_bounds = array<i64: 4, 2048>}, {transform_indices = @transform_2, window_bounds = array<i64: 1, 2>}]} {
    %eq3A = arith.constant 0 : i32
    %eq3A_0 = arith.cmpi eq, %arg0, %eq3A : i32
    %convert_element_type3A = arith.extui %eq3A_0 : i1 to i32
    %cond3A = arith.constant 0 : i32
    %cond3A_1 = arith.cmpi ne, %convert_element_type3A, %cond3A : i32
    scf.if %cond3A_1 {
      %swap3A_174 = arith.constant 0.000000e+00 : f32
      %swap3A_175 = arith.constant 0 : index
      %swap3A_176 = memref.load %arg4[%swap3A_175] : memref<2xf32, #tpu.memory_space<smem>>
      memref.store %swap3A_174, %arg4[%swap3A_175] : memref<2xf32, #tpu.memory_space<smem>>
      %swap3A_177 = arith.constant 0.000000e+00 : f32
      %swap3A_178 = arith.constant 1 : index
      %swap3A_179 = memref.load %arg4[%swap3A_178] : memref<2xf32, #tpu.memory_space<smem>>
      memref.store %swap3A_177, %arg4[%swap3A_178] : memref<2xf32, #tpu.memory_space<smem>>
    } else {
    }
    %mul3A = arith.constant 512 : i32
    %mul3A_2 = arith.muli %arg0, %mul3A : i32
    %get3A = arith.index_cast %mul3A_2 : i32 to index
    %get3A_3 = arith.constant 0 : index
    %get3A_4 = vector.load %arg1[%get3A, %get3A_3] : memref<2048x4xf32, #tpu.memory_space<vmem>>, vector<512x1xf32>
    %get3A_5 = arith.index_cast %mul3A_2 : i32 to index
    %get3A_6 = arith.constant 1 : index
    %get3A_7 = vector.load %arg1[%get3A_5, %get3A_6] : memref<2048x4xf32, #tpu.memory_space<vmem>>, vector<512x1xf32>
    %get3A_8 = arith.index_cast %mul3A_2 : i32 to index
    %get3A_9 = arith.constant 2 : index
    %get3A_10 = vector.load %arg1[%get3A_8, %get3A_9] : memref<2048x4xf32, #tpu.memory_space<vmem>>, vector<512x1xf32>
    %get3A_11 = arith.index_cast %mul3A_2 : i32 to index
    %get3A_12 = arith.constant 3 : index
    %get3A_13 = vector.load %arg1[%get3A_11, %get3A_12] : memref<2048x4xf32, #tpu.memory_space<vmem>>, vector<512x1xf32>
    %sub3A = arith.subf %get3A_10, %get3A_4 : vector<512x1xf32>
    %add3A = arith.constant 1.000000e+00 : f32
    %add3A_14 = vector.broadcast %add3A : f32 to vector<512x1xf32>
    %add3A_15 = arith.addf %sub3A, %add3A_14 : vector<512x1xf32>
    %sub3A_16 = arith.subf %get3A_13, %get3A_7 : vector<512x1xf32>
    %add3A_17 = arith.constant 1.000000e+00 : f32
    %add3A_18 = vector.broadcast %add3A_17 : f32 to vector<512x1xf32>
    %add3A_19 = arith.addf %sub3A_16, %add3A_18 : vector<512x1xf32>
    %mul3A_20 = arith.mulf %add3A_15, %add3A_19 : vector<512x1xf32>
    %convert_element_type3A_21 = arith.truncf %get3A_4 : vector<512x1xf32> to vector<512x1xbf16>
    %broadcast_in_dim3A = vector.shape_cast %convert_element_type3A_21 : vector<512x1xbf16> to vector<512x1xbf16>
    %broadcast_in_dim3A_22 = vector.broadcast %broadcast_in_dim3A : vector<512x1xbf16> to vector<512x512xbf16>
    %convert_element_type3A_23 = arith.truncf %get3A_7 : vector<512x1xf32> to vector<512x1xbf16>
    %broadcast_in_dim3A_24 = vector.shape_cast %convert_element_type3A_23 : vector<512x1xbf16> to vector<512x1xbf16>
    %broadcast_in_dim3A_25 = vector.broadcast %broadcast_in_dim3A_24 : vector<512x1xbf16> to vector<512x512xbf16>
    %add3A_26 = arith.constant 1.000000e+00 : f32
    %add3A_27 = vector.broadcast %add3A_26 : f32 to vector<512x1xf32>
    %add3A_28 = arith.addf %get3A_10, %add3A_27 : vector<512x1xf32>
    %convert_element_type3A_29 = arith.truncf %add3A_28 : vector<512x1xf32> to vector<512x1xbf16>
    %broadcast_in_dim3A_30 = vector.shape_cast %convert_element_type3A_29 : vector<512x1xbf16> to vector<512x1xbf16>
    %broadcast_in_dim3A_31 = vector.broadcast %broadcast_in_dim3A_30 : vector<512x1xbf16> to vector<512x512xbf16>
    %add3A_32 = arith.constant 1.000000e+00 : f32
    %add3A_33 = vector.broadcast %add3A_32 : f32 to vector<512x1xf32>
    %add3A_34 = arith.addf %get3A_13, %add3A_33 : vector<512x1xf32>
    %convert_element_type3A_35 = arith.truncf %add3A_34 : vector<512x1xf32> to vector<512x1xbf16>
    %broadcast_in_dim3A_36 = vector.shape_cast %convert_element_type3A_35 : vector<512x1xbf16> to vector<512x1xbf16>
    %broadcast_in_dim3A_37 = vector.broadcast %broadcast_in_dim3A_36 : vector<512x1xbf16> to vector<512x512xbf16>
    %convert_element_type3A_38 = arith.truncf %mul3A_20 : vector<512x1xf32> to vector<512x1xbf16>
    %broadcast_in_dim3A_39 = vector.shape_cast %convert_element_type3A_38 : vector<512x1xbf16> to vector<512x1xbf16>
    %broadcast_in_dim3A_40 = vector.broadcast %broadcast_in_dim3A_39 : vector<512x1xbf16> to vector<512x512xbf16>
    %while3A = arith.constant 0 : i32
    %while3A_41 = arith.constant 0.000000e+00 : f32
    %while3A_42 = arith.constant 0.000000e+00 : f32
    %while3A_43 = arith.subi %arg0, %while3A : i32
    %while3A_44 = arith.addi %while3A, %while3A_43 : i32
    %while3A_45 = arith.constant 1 : i32
    %while3A_46 = arith.divsi %while3A_43, %while3A_45 : i32
    %while3A_47 = arith.muli %while3A_46, %while3A_45 : i32
    %while3A_48 = arith.addi %while3A, %while3A_47 : i32
    %while3A_49 = arith.constant 1 : i32
    %while3A_50:2 = scf.for %while3A_174 = %while3A to %while3A_48 step %while3A_49 iter_args(%while3A_175 = %while3A_41, %while3A_176 = %while3A_42) -> (f32, f32)  : i32 {
      %mul3A_177 = arith.constant 512 : i32
      %mul3A_178 = arith.muli %while3A_174, %mul3A_177 : i32
      %get3A_179 = arith.constant 0 : index
      %get3A_180 = arith.index_cast %mul3A_178 : i32 to index
      %get3A_181 = vector.load %arg2[%get3A_179, %get3A_180] : memref<4x2048xf32, #tpu.memory_space<vmem>>, vector<1x512xf32>
      %get3A_182 = arith.constant 1 : index
      %get3A_183 = arith.index_cast %mul3A_178 : i32 to index
      %get3A_184 = vector.load %arg2[%get3A_182, %get3A_183] : memref<4x2048xf32, #tpu.memory_space<vmem>>, vector<1x512xf32>
      %get3A_185 = arith.constant 2 : index
      %get3A_186 = arith.index_cast %mul3A_178 : i32 to index
      %get3A_187 = vector.load %arg2[%get3A_185, %get3A_186] : memref<4x2048xf32, #tpu.memory_space<vmem>>, vector<1x512xf32>
      %get3A_188 = arith.constant 3 : index
      %get3A_189 = arith.index_cast %mul3A_178 : i32 to index
      %get3A_190 = vector.load %arg2[%get3A_188, %get3A_189] : memref<4x2048xf32, #tpu.memory_space<vmem>>, vector<1x512xf32>
      %convert_element_type3A_191 = arith.truncf %get3A_181 : vector<1x512xf32> to vector<1x512xbf16>
      %convert_element_type3A_192 = arith.truncf %get3A_184 : vector<1x512xf32> to vector<1x512xbf16>
      %add3A_193 = arith.constant 1.000000e+00 : f32
      %add3A_194 = vector.broadcast %add3A_193 : f32 to vector<1x512xf32>
      %add3A_195 = arith.addf %get3A_187, %add3A_194 : vector<1x512xf32>
      %convert_element_type3A_196 = arith.truncf %add3A_195 : vector<1x512xf32> to vector<1x512xbf16>
      %add3A_197 = arith.constant 1.000000e+00 : f32
      %add3A_198 = vector.broadcast %add3A_197 : f32 to vector<1x512xf32>
      %add3A_199 = arith.addf %get3A_190, %add3A_198 : vector<1x512xf32>
      %convert_element_type3A_200 = arith.truncf %add3A_199 : vector<1x512xf32> to vector<1x512xbf16>
      %sub3A_201 = arith.subf %get3A_187, %get3A_181 : vector<1x512xf32>
      %add3A_202 = arith.constant 1.000000e+00 : f32
      %add3A_203 = vector.broadcast %add3A_202 : f32 to vector<1x512xf32>
      %add3A_204 = arith.addf %sub3A_201, %add3A_203 : vector<1x512xf32>
      %sub3A_205 = arith.subf %get3A_190, %get3A_184 : vector<1x512xf32>
      %add3A_206 = arith.constant 1.000000e+00 : f32
      %add3A_207 = vector.broadcast %add3A_206 : f32 to vector<1x512xf32>
      %add3A_208 = arith.addf %sub3A_205, %add3A_207 : vector<1x512xf32>
      %mul3A_209 = arith.mulf %add3A_204, %add3A_208 : vector<1x512xf32>
      %convert_element_type3A_210 = arith.truncf %mul3A_209 : vector<1x512xf32> to vector<1x512xbf16>
      %min3A_211 = vector.broadcast %convert_element_type3A_196 : vector<1x512xbf16> to vector<512x512xbf16>
      %min3A_212 = arith.minimumf %min3A_211, %broadcast_in_dim3A_31 : vector<512x512xbf16>
      %max3A_213 = vector.broadcast %convert_element_type3A_191 : vector<1x512xbf16> to vector<512x512xbf16>
      %max3A_214 = arith.maximumf %max3A_213, %broadcast_in_dim3A_22 : vector<512x512xbf16>
      %sub3A_215 = arith.subf %min3A_212, %max3A_214 : vector<512x512xbf16>
      %max3A_216 = arith.constant 0.000000e+00 : bf16
      %max3A_217 = vector.broadcast %max3A_216 : bf16 to vector<512x512xbf16>
      %max3A_218 = arith.maximumf %sub3A_215, %max3A_217 : vector<512x512xbf16>
      %min3A_219 = vector.broadcast %convert_element_type3A_200 : vector<1x512xbf16> to vector<512x512xbf16>
      %min3A_220 = arith.minimumf %min3A_219, %broadcast_in_dim3A_37 : vector<512x512xbf16>
      %max3A_221 = vector.broadcast %convert_element_type3A_192 : vector<1x512xbf16> to vector<512x512xbf16>
      %max3A_222 = arith.maximumf %max3A_221, %broadcast_in_dim3A_25 : vector<512x512xbf16>
      %sub3A_223 = arith.subf %min3A_220, %max3A_222 : vector<512x512xbf16>
      %max3A_224 = arith.constant 0.000000e+00 : bf16
      %max3A_225 = vector.broadcast %max3A_224 : bf16 to vector<512x512xbf16>
      %max3A_226 = arith.maximumf %sub3A_223, %max3A_225 : vector<512x512xbf16>
      %mul3A_227 = arith.mulf %max3A_218, %max3A_226 : vector<512x512xbf16>
      %add3A_228 = vector.broadcast %convert_element_type3A_210 : vector<1x512xbf16> to vector<512x512xbf16>
      %add3A_229 = arith.addf %add3A_228, %broadcast_in_dim3A_40 : vector<512x512xbf16>
      %sub3A_230 = arith.subf %add3A_229, %mul3A_227 : vector<512x512xbf16>
      %div3A_231 = arith.divf %mul3A_227, %sub3A_230 : vector<512x512xbf16>
      %sub3A_232 = arith.constant 5.000000e-01 : bf16
      %sub3A_233 = vector.broadcast %sub3A_232 : bf16 to vector<512x512xbf16>
      %sub3A_234 = arith.subf %div3A_231, %sub3A_233 : vector<512x512xbf16>
      %max3A_235 = arith.constant 0.000000e+00 : bf16
      %max3A_236 = vector.broadcast %max3A_235 : bf16 to vector<512x512xbf16>
      %max3A_237 = arith.maximumf %sub3A_234, %max3A_236 : vector<512x512xbf16>
      %gt3A_238 = arith.constant 5.000000e-01 : bf16
      %gt3A_239 = vector.broadcast %gt3A_238 : bf16 to vector<512x512xbf16>
      %gt3A_240 = arith.cmpf ogt, %div3A_231, %gt3A_239 : vector<512x512xbf16>
      %sub3A_241 = arith.constant 1.000000e+00 : bf16
      %sub3A_242 = vector.broadcast %sub3A_241 : bf16 to vector<512x512xbf16>
      %sub3A_243 = arith.subf %sub3A_242, %div3A_231 : vector<512x512xbf16>
      %jit3A_244 = arith.constant 1.000000e+00 : bf16
      %broadcast_in_dim3A_245 = vector.broadcast %jit3A_244 : bf16 to vector<512x512xbf16>
      %select_n3A_246 = arith.select %gt3A_240, %broadcast_in_dim3A_245, %sub3A_243 : vector<512x512xi1>, vector<512x512xbf16>
      %slice3A_247 = vector.extract_strided_slice %select_n3A_246 {offsets = [0, 0], sizes = [256, 512], strides = [1, 1]} : vector<512x512xbf16> to vector<256x512xbf16>
      %slice3A_248 = vector.extract_strided_slice %select_n3A_246 {offsets = [256, 0], sizes = [256, 512], strides = [1, 1]} : vector<512x512xbf16> to vector<256x512xbf16>
      %mul3A_249 = arith.mulf %slice3A_247, %slice3A_248 : vector<256x512xbf16>
      %slice3A_250 = vector.extract_strided_slice %mul3A_249 {offsets = [0, 0], sizes = [128, 512], strides = [1, 1]} : vector<256x512xbf16> to vector<128x512xbf16>
      %slice3A_251 = vector.extract_strided_slice %mul3A_249 {offsets = [128, 0], sizes = [128, 512], strides = [1, 1]} : vector<256x512xbf16> to vector<128x512xbf16>
      %mul3A_252 = arith.mulf %slice3A_250, %slice3A_251 : vector<128x512xbf16>
      %slice3A_253 = vector.extract_strided_slice %mul3A_252 {offsets = [0, 0], sizes = [64, 512], strides = [1, 1]} : vector<128x512xbf16> to vector<64x512xbf16>
      %slice3A_254 = vector.extract_strided_slice %mul3A_252 {offsets = [64, 0], sizes = [64, 512], strides = [1, 1]} : vector<128x512xbf16> to vector<64x512xbf16>
      %mul3A_255 = arith.mulf %slice3A_253, %slice3A_254 : vector<64x512xbf16>
      %slice3A_256 = vector.extract_strided_slice %mul3A_255 {offsets = [0, 0], sizes = [32, 512], strides = [1, 1]} : vector<64x512xbf16> to vector<32x512xbf16>
      %slice3A_257 = vector.extract_strided_slice %mul3A_255 {offsets = [32, 0], sizes = [32, 512], strides = [1, 1]} : vector<64x512xbf16> to vector<32x512xbf16>
      %mul3A_258 = arith.mulf %slice3A_256, %slice3A_257 : vector<32x512xbf16>
      %slice3A_259 = vector.extract_strided_slice %mul3A_258 {offsets = [0, 0], sizes = [16, 512], strides = [1, 1]} : vector<32x512xbf16> to vector<16x512xbf16>
      %slice3A_260 = vector.extract_strided_slice %mul3A_258 {offsets = [16, 0], sizes = [16, 512], strides = [1, 1]} : vector<32x512xbf16> to vector<16x512xbf16>
      %mul3A_261 = arith.mulf %slice3A_259, %slice3A_260 : vector<16x512xbf16>
      %slice3A_262 = vector.extract_strided_slice %mul3A_261 {offsets = [0, 0], sizes = [8, 512], strides = [1, 1]} : vector<16x512xbf16> to vector<8x512xbf16>
      %slice3A_263 = vector.extract_strided_slice %mul3A_261 {offsets = [8, 0], sizes = [8, 512], strides = [1, 1]} : vector<16x512xbf16> to vector<8x512xbf16>
      %mul3A_264 = arith.mulf %slice3A_262, %slice3A_263 : vector<8x512xbf16>
      %slice3A_265 = vector.extract_strided_slice %max3A_237 {offsets = [0, 0], sizes = [256, 512], strides = [1, 1]} : vector<512x512xbf16> to vector<256x512xbf16>
      %slice3A_266 = vector.extract_strided_slice %max3A_237 {offsets = [256, 0], sizes = [256, 512], strides = [1, 1]} : vector<512x512xbf16> to vector<256x512xbf16>
      %add3A_267 = arith.addf %slice3A_265, %slice3A_266 : vector<256x512xbf16>
      %slice3A_268 = vector.extract_strided_slice %add3A_267 {offsets = [0, 0], sizes = [128, 512], strides = [1, 1]} : vector<256x512xbf16> to vector<128x512xbf16>
      %slice3A_269 = vector.extract_strided_slice %add3A_267 {offsets = [128, 0], sizes = [128, 512], strides = [1, 1]} : vector<256x512xbf16> to vector<128x512xbf16>
      %add3A_270 = arith.addf %slice3A_268, %slice3A_269 : vector<128x512xbf16>
      %slice3A_271 = vector.extract_strided_slice %add3A_270 {offsets = [0, 0], sizes = [64, 512], strides = [1, 1]} : vector<128x512xbf16> to vector<64x512xbf16>
      %slice3A_272 = vector.extract_strided_slice %add3A_270 {offsets = [64, 0], sizes = [64, 512], strides = [1, 1]} : vector<128x512xbf16> to vector<64x512xbf16>
      %add3A_273 = arith.addf %slice3A_271, %slice3A_272 : vector<64x512xbf16>
      %convert_element_type3A_274 = arith.extf %add3A_273 : vector<64x512xbf16> to vector<64x512xf32>
      %reduce_sum3A_275 = vector.shape_cast %convert_element_type3A_274 : vector<64x512xf32> to vector<1x64x512xf32>
      %reduce_sum3A_276 = arith.constant dense<0.000000e+00> : vector<1xf32>
      %reduce_sum3A_277 = vector.multi_reduction <add>, %reduce_sum3A_275, %reduce_sum3A_276 [1, 2] : vector<1x64x512xf32> to vector<1xf32>
      %reduce_sum3A_278 = vector.shape_cast %reduce_sum3A_277 : vector<1xf32> to vector<1x1x1xf32>
      %reduce_sum3A_279 = vector.extract %reduce_sum3A_278[0, 0, 0] : f32 from vector<1x1x1xf32>
      %convert_element_type3A_280 = arith.extf %mul3A_264 : vector<8x512xbf16> to vector<8x512xf32>
      %log3A_281 = math.log %convert_element_type3A_280 : vector<8x512xf32>
      %reduce_sum3A_282 = vector.shape_cast %log3A_281 : vector<8x512xf32> to vector<1x8x512xf32>
      %reduce_sum3A_283 = arith.constant dense<0.000000e+00> : vector<1xf32>
      %reduce_sum3A_284 = vector.multi_reduction <add>, %reduce_sum3A_282, %reduce_sum3A_283 [1, 2] : vector<1x8x512xf32> to vector<1xf32>
      %reduce_sum3A_285 = vector.shape_cast %reduce_sum3A_284 : vector<1xf32> to vector<1x1x1xf32>
      %reduce_sum3A_286 = vector.extract %reduce_sum3A_285[0, 0, 0] : f32 from vector<1x1x1xf32>
      %add3A_287 = arith.addf %while3A_175, %reduce_sum3A_279 : f32
      %add3A_288 = arith.addf %while3A_176, %reduce_sum3A_286 : f32
      scf.yield %add3A_287, %add3A_288 : f32, f32
    }
    %while3A_51 = arith.constant 1 : i32
    %while3A_52:2 = scf.for %while3A_174 = %while3A_48 to %while3A_44 step %while3A_51 iter_args(%while3A_175 = %while3A_50#0, %while3A_176 = %while3A_50#1) -> (f32, f32)  : i32 {
      %mul3A_177 = arith.constant 512 : i32
      %mul3A_178 = arith.muli %while3A_174, %mul3A_177 : i32
      %get3A_179 = arith.constant 0 : index
      %get3A_180 = arith.index_cast %mul3A_178 : i32 to index
      %get3A_181 = vector.load %arg2[%get3A_179, %get3A_180] : memref<4x2048xf32, #tpu.memory_space<vmem>>, vector<1x512xf32>
      %get3A_182 = arith.constant 1 : index
      %get3A_183 = arith.index_cast %mul3A_178 : i32 to index
      %get3A_184 = vector.load %arg2[%get3A_182, %get3A_183] : memref<4x2048xf32, #tpu.memory_space<vmem>>, vector<1x512xf32>
      %get3A_185 = arith.constant 2 : index
      %get3A_186 = arith.index_cast %mul3A_178 : i32 to index
      %get3A_187 = vector.load %arg2[%get3A_185, %get3A_186] : memref<4x2048xf32, #tpu.memory_space<vmem>>, vector<1x512xf32>
      %get3A_188 = arith.constant 3 : index
      %get3A_189 = arith.index_cast %mul3A_178 : i32 to index
      %get3A_190 = vector.load %arg2[%get3A_188, %get3A_189] : memref<4x2048xf32, #tpu.memory_space<vmem>>, vector<1x512xf32>
      %convert_element_type3A_191 = arith.truncf %get3A_181 : vector<1x512xf32> to vector<1x512xbf16>
      %convert_element_type3A_192 = arith.truncf %get3A_184 : vector<1x512xf32> to vector<1x512xbf16>
      %add3A_193 = arith.constant 1.000000e+00 : f32
      %add3A_194 = vector.broadcast %add3A_193 : f32 to vector<1x512xf32>
      %add3A_195 = arith.addf %get3A_187, %add3A_194 : vector<1x512xf32>
      %convert_element_type3A_196 = arith.truncf %add3A_195 : vector<1x512xf32> to vector<1x512xbf16>
      %add3A_197 = arith.constant 1.000000e+00 : f32
      %add3A_198 = vector.broadcast %add3A_197 : f32 to vector<1x512xf32>
      %add3A_199 = arith.addf %get3A_190, %add3A_198 : vector<1x512xf32>
      %convert_element_type3A_200 = arith.truncf %add3A_199 : vector<1x512xf32> to vector<1x512xbf16>
      %sub3A_201 = arith.subf %get3A_187, %get3A_181 : vector<1x512xf32>
      %add3A_202 = arith.constant 1.000000e+00 : f32
      %add3A_203 = vector.broadcast %add3A_202 : f32 to vector<1x512xf32>
      %add3A_204 = arith.addf %sub3A_201, %add3A_203 : vector<1x512xf32>
      %sub3A_205 = arith.subf %get3A_190, %get3A_184 : vector<1x512xf32>
      %add3A_206 = arith.constant 1.000000e+00 : f32
      %add3A_207 = vector.broadcast %add3A_206 : f32 to vector<1x512xf32>
      %add3A_208 = arith.addf %sub3A_205, %add3A_207 : vector<1x512xf32>
      %mul3A_209 = arith.mulf %add3A_204, %add3A_208 : vector<1x512xf32>
      %convert_element_type3A_210 = arith.truncf %mul3A_209 : vector<1x512xf32> to vector<1x512xbf16>
      %min3A_211 = vector.broadcast %convert_element_type3A_196 : vector<1x512xbf16> to vector<512x512xbf16>
      %min3A_212 = arith.minimumf %min3A_211, %broadcast_in_dim3A_31 : vector<512x512xbf16>
      %max3A_213 = vector.broadcast %convert_element_type3A_191 : vector<1x512xbf16> to vector<512x512xbf16>
      %max3A_214 = arith.maximumf %max3A_213, %broadcast_in_dim3A_22 : vector<512x512xbf16>
      %sub3A_215 = arith.subf %min3A_212, %max3A_214 : vector<512x512xbf16>
      %max3A_216 = arith.constant 0.000000e+00 : bf16
      %max3A_217 = vector.broadcast %max3A_216 : bf16 to vector<512x512xbf16>
      %max3A_218 = arith.maximumf %sub3A_215, %max3A_217 : vector<512x512xbf16>
      %min3A_219 = vector.broadcast %convert_element_type3A_200 : vector<1x512xbf16> to vector<512x512xbf16>
      %min3A_220 = arith.minimumf %min3A_219, %broadcast_in_dim3A_37 : vector<512x512xbf16>
      %max3A_221 = vector.broadcast %convert_element_type3A_192 : vector<1x512xbf16> to vector<512x512xbf16>
      %max3A_222 = arith.maximumf %max3A_221, %broadcast_in_dim3A_25 : vector<512x512xbf16>
      %sub3A_223 = arith.subf %min3A_220, %max3A_222 : vector<512x512xbf16>
      %max3A_224 = arith.constant 0.000000e+00 : bf16
      %max3A_225 = vector.broadcast %max3A_224 : bf16 to vector<512x512xbf16>
      %max3A_226 = arith.maximumf %sub3A_223, %max3A_225 : vector<512x512xbf16>
      %mul3A_227 = arith.mulf %max3A_218, %max3A_226 : vector<512x512xbf16>
      %add3A_228 = vector.broadcast %convert_element_type3A_210 : vector<1x512xbf16> to vector<512x512xbf16>
      %add3A_229 = arith.addf %add3A_228, %broadcast_in_dim3A_40 : vector<512x512xbf16>
      %sub3A_230 = arith.subf %add3A_229, %mul3A_227 : vector<512x512xbf16>
      %div3A_231 = arith.divf %mul3A_227, %sub3A_230 : vector<512x512xbf16>
      %sub3A_232 = arith.constant 5.000000e-01 : bf16
      %sub3A_233 = vector.broadcast %sub3A_232 : bf16 to vector<512x512xbf16>
      %sub3A_234 = arith.subf %div3A_231, %sub3A_233 : vector<512x512xbf16>
      %max3A_235 = arith.constant 0.000000e+00 : bf16
      %max3A_236 = vector.broadcast %max3A_235 : bf16 to vector<512x512xbf16>
      %max3A_237 = arith.maximumf %sub3A_234, %max3A_236 : vector<512x512xbf16>
      %gt3A_238 = arith.constant 5.000000e-01 : bf16
      %gt3A_239 = vector.broadcast %gt3A_238 : bf16 to vector<512x512xbf16>
      %gt3A_240 = arith.cmpf ogt, %div3A_231, %gt3A_239 : vector<512x512xbf16>
      %sub3A_241 = arith.constant 1.000000e+00 : bf16
      %sub3A_242 = vector.broadcast %sub3A_241 : bf16 to vector<512x512xbf16>
      %sub3A_243 = arith.subf %sub3A_242, %div3A_231 : vector<512x512xbf16>
      %jit3A_244 = arith.constant 1.000000e+00 : bf16
      %broadcast_in_dim3A_245 = vector.broadcast %jit3A_244 : bf16 to vector<512x512xbf16>
      %select_n3A_246 = arith.select %gt3A_240, %broadcast_in_dim3A_245, %sub3A_243 : vector<512x512xi1>, vector<512x512xbf16>
      %slice3A_247 = vector.extract_strided_slice %select_n3A_246 {offsets = [0, 0], sizes = [256, 512], strides = [1, 1]} : vector<512x512xbf16> to vector<256x512xbf16>
      %slice3A_248 = vector.extract_strided_slice %select_n3A_246 {offsets = [256, 0], sizes = [256, 512], strides = [1, 1]} : vector<512x512xbf16> to vector<256x512xbf16>
      %mul3A_249 = arith.mulf %slice3A_247, %slice3A_248 : vector<256x512xbf16>
      %slice3A_250 = vector.extract_strided_slice %mul3A_249 {offsets = [0, 0], sizes = [128, 512], strides = [1, 1]} : vector<256x512xbf16> to vector<128x512xbf16>
      %slice3A_251 = vector.extract_strided_slice %mul3A_249 {offsets = [128, 0], sizes = [128, 512], strides = [1, 1]} : vector<256x512xbf16> to vector<128x512xbf16>
      %mul3A_252 = arith.mulf %slice3A_250, %slice3A_251 : vector<128x512xbf16>
      %slice3A_253 = vector.extract_strided_slice %mul3A_252 {offsets = [0, 0], sizes = [64, 512], strides = [1, 1]} : vector<128x512xbf16> to vector<64x512xbf16>
      %slice3A_254 = vector.extract_strided_slice %mul3A_252 {offsets = [64, 0], sizes = [64, 512], strides = [1, 1]} : vector<128x512xbf16> to vector<64x512xbf16>
      %mul3A_255 = arith.mulf %slice3A_253, %slice3A_254 : vector<64x512xbf16>
      %slice3A_256 = vector.extract_strided_slice %mul3A_255 {offsets = [0, 0], sizes = [32, 512], strides = [1, 1]} : vector<64x512xbf16> to vector<32x512xbf16>
      %slice3A_257 = vector.extract_strided_slice %mul3A_255 {offsets = [32, 0], sizes = [32, 512], strides = [1, 1]} : vector<64x512xbf16> to vector<32x512xbf16>
      %mul3A_258 = arith.mulf %slice3A_256, %slice3A_257 : vector<32x512xbf16>
      %slice3A_259 = vector.extract_strided_slice %mul3A_258 {offsets = [0, 0], sizes = [16, 512], strides = [1, 1]} : vector<32x512xbf16> to vector<16x512xbf16>
      %slice3A_260 = vector.extract_strided_slice %mul3A_258 {offsets = [16, 0], sizes = [16, 512], strides = [1, 1]} : vector<32x512xbf16> to vector<16x512xbf16>
      %mul3A_261 = arith.mulf %slice3A_259, %slice3A_260 : vector<16x512xbf16>
      %slice3A_262 = vector.extract_strided_slice %mul3A_261 {offsets = [0, 0], sizes = [8, 512], strides = [1, 1]} : vector<16x512xbf16> to vector<8x512xbf16>
      %slice3A_263 = vector.extract_strided_slice %mul3A_261 {offsets = [8, 0], sizes = [8, 512], strides = [1, 1]} : vector<16x512xbf16> to vector<8x512xbf16>
      %mul3A_264 = arith.mulf %slice3A_262, %slice3A_263 : vector<8x512xbf16>
      %slice3A_265 = vector.extract_strided_slice %max3A_237 {offsets = [0, 0], sizes = [256, 512], strides = [1, 1]} : vector<512x512xbf16> to vector<256x512xbf16>
      %slice3A_266 = vector.extract_strided_slice %max3A_237 {offsets = [256, 0], sizes = [256, 512], strides = [1, 1]} : vector<512x512xbf16> to vector<256x512xbf16>
      %add3A_267 = arith.addf %slice3A_265, %slice3A_266 : vector<256x512xbf16>
      %slice3A_268 = vector.extract_strided_slice %add3A_267 {offsets = [0, 0], sizes = [128, 512], strides = [1, 1]} : vector<256x512xbf16> to vector<128x512xbf16>
      %slice3A_269 = vector.extract_strided_slice %add3A_267 {offsets = [128, 0], sizes = [128, 512], strides = [1, 1]} : vector<256x512xbf16> to vector<128x512xbf16>
      %add3A_270 = arith.addf %slice3A_268, %slice3A_269 : vector<128x512xbf16>
      %slice3A_271 = vector.extract_strided_slice %add3A_270 {offsets = [0, 0], sizes = [64, 512], strides = [1, 1]} : vector<128x512xbf16> to vector<64x512xbf16>
      %slice3A_272 = vector.extract_strided_slice %add3A_270 {offsets = [64, 0], sizes = [64, 512], strides = [1, 1]} : vector<128x512xbf16> to vector<64x512xbf16>
      %add3A_273 = arith.addf %slice3A_271, %slice3A_272 : vector<64x512xbf16>
      %convert_element_type3A_274 = arith.extf %add3A_273 : vector<64x512xbf16> to vector<64x512xf32>
      %reduce_sum3A_275 = vector.shape_cast %convert_element_type3A_274 : vector<64x512xf32> to vector<1x64x512xf32>
      %reduce_sum3A_276 = arith.constant dense<0.000000e+00> : vector<1xf32>
      %reduce_sum3A_277 = vector.multi_reduction <add>, %reduce_sum3A_275, %reduce_sum3A_276 [1, 2] : vector<1x64x512xf32> to vector<1xf32>
      %reduce_sum3A_278 = vector.shape_cast %reduce_sum3A_277 : vector<1xf32> to vector<1x1x1xf32>
      %reduce_sum3A_279 = vector.extract %reduce_sum3A_278[0, 0, 0] : f32 from vector<1x1x1xf32>
      %convert_element_type3A_280 = arith.extf %mul3A_264 : vector<8x512xbf16> to vector<8x512xf32>
      %log3A_281 = math.log %convert_element_type3A_280 : vector<8x512xf32>
      %reduce_sum3A_282 = vector.shape_cast %log3A_281 : vector<8x512xf32> to vector<1x8x512xf32>
      %reduce_sum3A_283 = arith.constant dense<0.000000e+00> : vector<1xf32>
      %reduce_sum3A_284 = vector.multi_reduction <add>, %reduce_sum3A_282, %reduce_sum3A_283 [1, 2] : vector<1x8x512xf32> to vector<1xf32>
      %reduce_sum3A_285 = vector.shape_cast %reduce_sum3A_284 : vector<1xf32> to vector<1x1x1xf32>
      %reduce_sum3A_286 = vector.extract %reduce_sum3A_285[0, 0, 0] : f32 from vector<1x1x1xf32>
      %add3A_287 = arith.addf %while3A_175, %reduce_sum3A_279 : f32
      %add3A_288 = arith.addf %while3A_176, %reduce_sum3A_286 : f32
      scf.yield %add3A_287, %add3A_288 : f32, f32
    }
    %iota3A = tpu.iota {dimensions = array<i32: 0>} : vector<512x512xi32>
    %iota3A_53 = tpu.iota {dimensions = array<i32: 1>} : vector<512x512xi32>
    %mul3A_54 = arith.constant 512 : i32
    %mul3A_55 = arith.muli %arg0, %mul3A_54 : i32
    %ge3A = arith.cmpi sge, %iota3A_53, %iota3A : vector<512x512xi32>
    %get3A_56 = arith.constant 0 : index
    %get3A_57 = arith.index_cast %mul3A_55 : i32 to index
    %get3A_58 = vector.load %arg2[%get3A_56, %get3A_57] : memref<4x2048xf32, #tpu.memory_space<vmem>>, vector<1x512xf32>
    %get3A_59 = arith.constant 1 : index
    %get3A_60 = arith.index_cast %mul3A_55 : i32 to index
    %get3A_61 = vector.load %arg2[%get3A_59, %get3A_60] : memref<4x2048xf32, #tpu.memory_space<vmem>>, vector<1x512xf32>
    %get3A_62 = arith.constant 2 : index
    %get3A_63 = arith.index_cast %mul3A_55 : i32 to index
    %get3A_64 = vector.load %arg2[%get3A_62, %get3A_63] : memref<4x2048xf32, #tpu.memory_space<vmem>>, vector<1x512xf32>
    %get3A_65 = arith.constant 3 : index
    %get3A_66 = arith.index_cast %mul3A_55 : i32 to index
    %get3A_67 = vector.load %arg2[%get3A_65, %get3A_66] : memref<4x2048xf32, #tpu.memory_space<vmem>>, vector<1x512xf32>
    %convert_element_type3A_68 = arith.truncf %get3A_58 : vector<1x512xf32> to vector<1x512xbf16>
    %convert_element_type3A_69 = arith.truncf %get3A_61 : vector<1x512xf32> to vector<1x512xbf16>
    %add3A_70 = arith.constant 1.000000e+00 : f32
    %add3A_71 = vector.broadcast %add3A_70 : f32 to vector<1x512xf32>
    %add3A_72 = arith.addf %get3A_64, %add3A_71 : vector<1x512xf32>
    %convert_element_type3A_73 = arith.truncf %add3A_72 : vector<1x512xf32> to vector<1x512xbf16>
    %add3A_74 = arith.constant 1.000000e+00 : f32
    %add3A_75 = vector.broadcast %add3A_74 : f32 to vector<1x512xf32>
    %add3A_76 = arith.addf %get3A_67, %add3A_75 : vector<1x512xf32>
    %convert_element_type3A_77 = arith.truncf %add3A_76 : vector<1x512xf32> to vector<1x512xbf16>
    %sub3A_78 = arith.subf %get3A_64, %get3A_58 : vector<1x512xf32>
    %add3A_79 = arith.constant 1.000000e+00 : f32
    %add3A_80 = vector.broadcast %add3A_79 : f32 to vector<1x512xf32>
    %add3A_81 = arith.addf %sub3A_78, %add3A_80 : vector<1x512xf32>
    %sub3A_82 = arith.subf %get3A_67, %get3A_61 : vector<1x512xf32>
    %add3A_83 = arith.constant 1.000000e+00 : f32
    %add3A_84 = vector.broadcast %add3A_83 : f32 to vector<1x512xf32>
    %add3A_85 = arith.addf %sub3A_82, %add3A_84 : vector<1x512xf32>
    %mul3A_86 = arith.mulf %add3A_81, %add3A_85 : vector<1x512xf32>
    %convert_element_type3A_87 = arith.truncf %mul3A_86 : vector<1x512xf32> to vector<1x512xbf16>
    %min3A = vector.broadcast %convert_element_type3A_73 : vector<1x512xbf16> to vector<512x512xbf16>
    %min3A_88 = arith.minimumf %min3A, %broadcast_in_dim3A_31 : vector<512x512xbf16>
    %max3A = vector.broadcast %convert_element_type3A_68 : vector<1x512xbf16> to vector<512x512xbf16>
    %max3A_89 = arith.maximumf %max3A, %broadcast_in_dim3A_22 : vector<512x512xbf16>
    %sub3A_90 = arith.subf %min3A_88, %max3A_89 : vector<512x512xbf16>
    %max3A_91 = arith.constant 0.000000e+00 : bf16
    %max3A_92 = vector.broadcast %max3A_91 : bf16 to vector<512x512xbf16>
    %max3A_93 = arith.maximumf %sub3A_90, %max3A_92 : vector<512x512xbf16>
    %min3A_94 = vector.broadcast %convert_element_type3A_77 : vector<1x512xbf16> to vector<512x512xbf16>
    %min3A_95 = arith.minimumf %min3A_94, %broadcast_in_dim3A_37 : vector<512x512xbf16>
    %max3A_96 = vector.broadcast %convert_element_type3A_69 : vector<1x512xbf16> to vector<512x512xbf16>
    %max3A_97 = arith.maximumf %max3A_96, %broadcast_in_dim3A_25 : vector<512x512xbf16>
    %sub3A_98 = arith.subf %min3A_95, %max3A_97 : vector<512x512xbf16>
    %max3A_99 = arith.constant 0.000000e+00 : bf16
    %max3A_100 = vector.broadcast %max3A_99 : bf16 to vector<512x512xbf16>
    %max3A_101 = arith.maximumf %sub3A_98, %max3A_100 : vector<512x512xbf16>
    %mul3A_102 = arith.mulf %max3A_93, %max3A_101 : vector<512x512xbf16>
    %jit3A = arith.constant 0.000000e+00 : bf16
    %broadcast_in_dim3A_103 = vector.broadcast %jit3A : bf16 to vector<512x512xbf16>
    %select_n3A = arith.select %ge3A, %broadcast_in_dim3A_103, %mul3A_102 : vector<512x512xi1>, vector<512x512xbf16>
    %add3A_104 = vector.broadcast %convert_element_type3A_87 : vector<1x512xbf16> to vector<512x512xbf16>
    %add3A_105 = arith.addf %add3A_104, %broadcast_in_dim3A_40 : vector<512x512xbf16>
    %sub3A_106 = arith.subf %add3A_105, %select_n3A : vector<512x512xbf16>
    %div3A = arith.divf %select_n3A, %sub3A_106 : vector<512x512xbf16>
    %sub3A_107 = arith.constant 5.000000e-01 : bf16
    %sub3A_108 = vector.broadcast %sub3A_107 : bf16 to vector<512x512xbf16>
    %sub3A_109 = arith.subf %div3A, %sub3A_108 : vector<512x512xbf16>
    %max3A_110 = arith.constant 0.000000e+00 : bf16
    %max3A_111 = vector.broadcast %max3A_110 : bf16 to vector<512x512xbf16>
    %max3A_112 = arith.maximumf %sub3A_109, %max3A_111 : vector<512x512xbf16>
    %gt3A = arith.constant 5.000000e-01 : bf16
    %gt3A_113 = vector.broadcast %gt3A : bf16 to vector<512x512xbf16>
    %gt3A_114 = arith.cmpf ogt, %div3A, %gt3A_113 : vector<512x512xbf16>
    %sub3A_115 = arith.constant 1.000000e+00 : bf16
    %sub3A_116 = vector.broadcast %sub3A_115 : bf16 to vector<512x512xbf16>
    %sub3A_117 = arith.subf %sub3A_116, %div3A : vector<512x512xbf16>
    %jit3A_118 = arith.constant 1.000000e+00 : bf16
    %broadcast_in_dim3A_119 = vector.broadcast %jit3A_118 : bf16 to vector<512x512xbf16>
    %select_n3A_120 = arith.select %gt3A_114, %broadcast_in_dim3A_119, %sub3A_117 : vector<512x512xi1>, vector<512x512xbf16>
    %slice3A = vector.extract_strided_slice %select_n3A_120 {offsets = [0, 0], sizes = [256, 512], strides = [1, 1]} : vector<512x512xbf16> to vector<256x512xbf16>
    %slice3A_121 = vector.extract_strided_slice %select_n3A_120 {offsets = [256, 0], sizes = [256, 512], strides = [1, 1]} : vector<512x512xbf16> to vector<256x512xbf16>
    %mul3A_122 = arith.mulf %slice3A, %slice3A_121 : vector<256x512xbf16>
    %slice3A_123 = vector.extract_strided_slice %mul3A_122 {offsets = [0, 0], sizes = [128, 512], strides = [1, 1]} : vector<256x512xbf16> to vector<128x512xbf16>
    %slice3A_124 = vector.extract_strided_slice %mul3A_122 {offsets = [128, 0], sizes = [128, 512], strides = [1, 1]} : vector<256x512xbf16> to vector<128x512xbf16>
    %mul3A_125 = arith.mulf %slice3A_123, %slice3A_124 : vector<128x512xbf16>
    %slice3A_126 = vector.extract_strided_slice %mul3A_125 {offsets = [0, 0], sizes = [64, 512], strides = [1, 1]} : vector<128x512xbf16> to vector<64x512xbf16>
    %slice3A_127 = vector.extract_strided_slice %mul3A_125 {offsets = [64, 0], sizes = [64, 512], strides = [1, 1]} : vector<128x512xbf16> to vector<64x512xbf16>
    %mul3A_128 = arith.mulf %slice3A_126, %slice3A_127 : vector<64x512xbf16>
    %slice3A_129 = vector.extract_strided_slice %mul3A_128 {offsets = [0, 0], sizes = [32, 512], strides = [1, 1]} : vector<64x512xbf16> to vector<32x512xbf16>
    %slice3A_130 = vector.extract_strided_slice %mul3A_128 {offsets = [32, 0], sizes = [32, 512], strides = [1, 1]} : vector<64x512xbf16> to vector<32x512xbf16>
    %mul3A_131 = arith.mulf %slice3A_129, %slice3A_130 : vector<32x512xbf16>
    %slice3A_132 = vector.extract_strided_slice %mul3A_131 {offsets = [0, 0], sizes = [16, 512], strides = [1, 1]} : vector<32x512xbf16> to vector<16x512xbf16>
    %slice3A_133 = vector.extract_strided_slice %mul3A_131 {offsets = [16, 0], sizes = [16, 512], strides = [1, 1]} : vector<32x512xbf16> to vector<16x512xbf16>
    %mul3A_134 = arith.mulf %slice3A_132, %slice3A_133 : vector<16x512xbf16>
    %slice3A_135 = vector.extract_strided_slice %mul3A_134 {offsets = [0, 0], sizes = [8, 512], strides = [1, 1]} : vector<16x512xbf16> to vector<8x512xbf16>
    %slice3A_136 = vector.extract_strided_slice %mul3A_134 {offsets = [8, 0], sizes = [8, 512], strides = [1, 1]} : vector<16x512xbf16> to vector<8x512xbf16>
    %mul3A_137 = arith.mulf %slice3A_135, %slice3A_136 : vector<8x512xbf16>
    %slice3A_138 = vector.extract_strided_slice %max3A_112 {offsets = [0, 0], sizes = [256, 512], strides = [1, 1]} : vector<512x512xbf16> to vector<256x512xbf16>
    %slice3A_139 = vector.extract_strided_slice %max3A_112 {offsets = [256, 0], sizes = [256, 512], strides = [1, 1]} : vector<512x512xbf16> to vector<256x512xbf16>
    %add3A_140 = arith.addf %slice3A_138, %slice3A_139 : vector<256x512xbf16>
    %slice3A_141 = vector.extract_strided_slice %add3A_140 {offsets = [0, 0], sizes = [128, 512], strides = [1, 1]} : vector<256x512xbf16> to vector<128x512xbf16>
    %slice3A_142 = vector.extract_strided_slice %add3A_140 {offsets = [128, 0], sizes = [128, 512], strides = [1, 1]} : vector<256x512xbf16> to vector<128x512xbf16>
    %add3A_143 = arith.addf %slice3A_141, %slice3A_142 : vector<128x512xbf16>
    %slice3A_144 = vector.extract_strided_slice %add3A_143 {offsets = [0, 0], sizes = [64, 512], strides = [1, 1]} : vector<128x512xbf16> to vector<64x512xbf16>
    %slice3A_145 = vector.extract_strided_slice %add3A_143 {offsets = [64, 0], sizes = [64, 512], strides = [1, 1]} : vector<128x512xbf16> to vector<64x512xbf16>
    %add3A_146 = arith.addf %slice3A_144, %slice3A_145 : vector<64x512xbf16>
    %convert_element_type3A_147 = arith.extf %add3A_146 : vector<64x512xbf16> to vector<64x512xf32>
    %reduce_sum3A = vector.shape_cast %convert_element_type3A_147 : vector<64x512xf32> to vector<1x64x512xf32>
    %reduce_sum3A_148 = arith.constant dense<0.000000e+00> : vector<1xf32>
    %reduce_sum3A_149 = vector.multi_reduction <add>, %reduce_sum3A, %reduce_sum3A_148 [1, 2] : vector<1x64x512xf32> to vector<1xf32>
    %reduce_sum3A_150 = vector.shape_cast %reduce_sum3A_149 : vector<1xf32> to vector<1x1x1xf32>
    %reduce_sum3A_151 = vector.extract %reduce_sum3A_150[0, 0, 0] : f32 from vector<1x1x1xf32>
    %convert_element_type3A_152 = arith.extf %mul3A_137 : vector<8x512xbf16> to vector<8x512xf32>
    %log3A = math.log %convert_element_type3A_152 : vector<8x512xf32>
    %reduce_sum3A_153 = vector.shape_cast %log3A : vector<8x512xf32> to vector<1x8x512xf32>
    %reduce_sum3A_154 = arith.constant dense<0.000000e+00> : vector<1xf32>
    %reduce_sum3A_155 = vector.multi_reduction <add>, %reduce_sum3A_153, %reduce_sum3A_154 [1, 2] : vector<1x8x512xf32> to vector<1xf32>
    %reduce_sum3A_156 = vector.shape_cast %reduce_sum3A_155 : vector<1xf32> to vector<1x1x1xf32>
    %reduce_sum3A_157 = vector.extract %reduce_sum3A_156[0, 0, 0] : f32 from vector<1x1x1xf32>
    %get3A_158 = arith.constant 0 : index
    %get3A_159 = memref.load %arg4[%get3A_158] : memref<2xf32, #tpu.memory_space<smem>>
    %add3A_160 = arith.addf %while3A_52#0, %reduce_sum3A_151 : f32
    %add3A_161 = arith.addf %get3A_159, %add3A_160 : f32
    %swap3A = arith.constant 0 : index
    %swap3A_162 = memref.load %arg4[%swap3A] : memref<2xf32, #tpu.memory_space<smem>>
    memref.store %add3A_161, %arg4[%swap3A] : memref<2xf32, #tpu.memory_space<smem>>
    %get3A_163 = arith.constant 1 : index
    %get3A_164 = memref.load %arg4[%get3A_163] : memref<2xf32, #tpu.memory_space<smem>>
    %add3A_165 = arith.addf %while3A_52#1, %reduce_sum3A_157 : f32
    %add3A_166 = arith.addf %get3A_164, %add3A_165 : f32
    %swap3A_167 = arith.constant 1 : index
    %swap3A_168 = memref.load %arg4[%swap3A_167] : memref<2xf32, #tpu.memory_space<smem>>
    memref.store %add3A_166, %arg4[%swap3A_167] : memref<2xf32, #tpu.memory_space<smem>>
    %eq3A_169 = arith.constant 3 : i32
    %eq3A_170 = arith.cmpi eq, %arg0, %eq3A_169 : i32
    %convert_element_type3A_171 = arith.extui %eq3A_170 : i1 to i32
    %cond3A_172 = arith.constant 0 : i32
    %cond3A_173 = arith.cmpi ne, %convert_element_type3A_171, %cond3A_172 : i32
    scf.if %cond3A_173 {
      %get3A_174 = arith.constant 0 : index
      %get3A_175 = memref.load %arg4[%get3A_174] : memref<2xf32, #tpu.memory_space<smem>>
      %swap3A_176 = arith.constant 0 : index
      %swap3A_177 = arith.constant 0 : index
      %swap3A_178 = memref.load %arg3[%swap3A_176, %swap3A_177] : memref<1x2xf32, #tpu.memory_space<smem>>
      memref.store %get3A_175, %arg3[%swap3A_176, %swap3A_177] : memref<1x2xf32, #tpu.memory_space<smem>>
      %get3A_179 = arith.constant 1 : index
      %get3A_180 = memref.load %arg4[%get3A_179] : memref<2xf32, #tpu.memory_space<smem>>
      %swap3A_181 = arith.constant 0 : index
      %swap3A_182 = arith.constant 1 : index
      %swap3A_183 = memref.load %arg3[%swap3A_181, %swap3A_182] : memref<1x2xf32, #tpu.memory_space<smem>>
      memref.store %get3A_180, %arg3[%swap3A_181, %swap3A_182] : memref<1x2xf32, #tpu.memory_space<smem>>
    } else {
    }
    return
  }
  func.func @transform_0(%arg0: i32) -> (i32, i32) {
    %c0_i32 = arith.constant 0 : i32
    %c0_i32_0 = arith.constant 0 : i32
    %c0_i32_1 = arith.constant 0 : i32
    return %c0_i32, %c0_i32_0 : i32, i32
  }
  func.func @transform_1(%arg0: i32) -> (i32, i32) {
    %c0_i32 = arith.constant 0 : i32
    %c0_i32_0 = arith.constant 0 : i32
    %c0_i32_1 = arith.constant 0 : i32
    return %c0_i32, %c0_i32_0 : i32, i32
  }
  func.func @transform_2(%arg0: i32) -> (i32, i32) {
    %c0_i32 = arith.constant 0 : i32
    %c0_i32_0 = arith.constant 0 : i32
    %c0_i32_1 = arith.constant 0 : i32
    return %c0_i32, %c0_i32_0 : i32, i32
  }
}

module attributes {stable_mosaic.version = 14 : i64} {
  func.func @_attr_repgt_kernel(%arg0: memref<1024x256xf32, #tpu.memory_space<vmem>>, %arg1: memref<1024x256xf32, #tpu.memory_space<vmem>>, %arg2: memref<4x2048xf32, #tpu.memory_space<vmem>>, %arg3: memref<2048x4xf32, #tpu.memory_space<vmem>>, %arg4: memref<1x2xf32, #tpu.memory_space<smem>>) attributes {dimension_semantics = [], scalar_prefetch = 0 : i64, scratch_operands = 0 : i64, tpu.core_type = #tpu.core_type<tc>} {
    %get3A = arith.constant 0 : index
    %get3A_0 = arith.constant 0 : index
    %get3A_1 = vector.load %arg0[%get3A, %get3A_0] : memref<1024x256xf32, #tpu.memory_space<vmem>>, vector<1024x256xf32>
    %get3A_2 = arith.constant 0 : index
    %get3A_3 = arith.constant 0 : index
    %get3A_4 = vector.load %arg1[%get3A_2, %get3A_3] : memref<1024x256xf32, #tpu.memory_space<vmem>>, vector<1024x256xf32>
    %sub3A = arith.subf %get3A_1, %get3A_4 : vector<1024x256xf32>
    %abs3A = math.absf %sub3A : vector<1024x256xf32>
    %lt3A = arith.constant 1.000000e+00 : f32
    %lt3A_5 = vector.broadcast %lt3A : f32 to vector<1024x256xf32>
    %lt3A_6 = arith.cmpf olt, %abs3A, %lt3A_5 : vector<1024x256xf32>
    %mul3A = arith.constant 5.000000e-01 : f32
    %mul3A_7 = vector.broadcast %mul3A : f32 to vector<1024x256xf32>
    %mul3A_8 = arith.mulf %mul3A_7, %abs3A : vector<1024x256xf32>
    %mul3A_9 = arith.mulf %mul3A_8, %abs3A : vector<1024x256xf32>
    %sub3A_10 = arith.constant 5.000000e-01 : f32
    %sub3A_11 = vector.broadcast %sub3A_10 : f32 to vector<1024x256xf32>
    %sub3A_12 = arith.subf %abs3A, %sub3A_11 : vector<1024x256xf32>
    %select_n3A = arith.select %lt3A_6, %mul3A_9, %sub3A_12 : vector<1024x256xi1>, vector<1024x256xf32>
    %reduce_sum3A = vector.shape_cast %select_n3A : vector<1024x256xf32> to vector<1x1024x256xf32>
    %reduce_sum3A_13 = arith.constant dense<0.000000e+00> : vector<1xf32>
    %reduce_sum3A_14 = vector.multi_reduction <add>, %reduce_sum3A, %reduce_sum3A_13 [1, 2] : vector<1x1024x256xf32> to vector<1xf32>
    %reduce_sum3A_15 = vector.shape_cast %reduce_sum3A_14 : vector<1xf32> to vector<1x1x1xf32>
    %reduce_sum3A_16 = vector.extract %reduce_sum3A_15[0, 0, 0] : f32 from vector<1x1x1xf32>
    %get3A_17 = arith.constant 0 : index
    %get3A_18 = arith.constant 0 : index
    %get3A_19 = vector.load %arg3[%get3A_17, %get3A_18] : memref<2048x4xf32, #tpu.memory_space<vmem>>, vector<2048x1xf32>
    %reshape3A = vector.shape_cast %get3A_19 : vector<2048x1xf32> to vector<1x2048xf32>
    %get3A_20 = arith.constant 0 : index
    %get3A_21 = arith.constant 1 : index
    %get3A_22 = vector.load %arg3[%get3A_20, %get3A_21] : memref<2048x4xf32, #tpu.memory_space<vmem>>, vector<2048x1xf32>
    %reshape3A_23 = vector.shape_cast %get3A_22 : vector<2048x1xf32> to vector<1x2048xf32>
    %get3A_24 = arith.constant 0 : index
    %get3A_25 = arith.constant 2 : index
    %get3A_26 = vector.load %arg3[%get3A_24, %get3A_25] : memref<2048x4xf32, #tpu.memory_space<vmem>>, vector<2048x1xf32>
    %reshape3A_27 = vector.shape_cast %get3A_26 : vector<2048x1xf32> to vector<1x2048xf32>
    %get3A_28 = arith.constant 0 : index
    %get3A_29 = arith.constant 3 : index
    %get3A_30 = vector.load %arg3[%get3A_28, %get3A_29] : memref<2048x4xf32, #tpu.memory_space<vmem>>, vector<2048x1xf32>
    %reshape3A_31 = vector.shape_cast %get3A_30 : vector<2048x1xf32> to vector<1x2048xf32>
    %get3A_32 = arith.constant 0 : index
    %get3A_33 = arith.constant 0 : index
    %get3A_34 = vector.load %arg2[%get3A_32, %get3A_33] : memref<4x2048xf32, #tpu.memory_space<vmem>>, vector<1x2048xf32>
    %get3A_35 = arith.constant 1 : index
    %get3A_36 = arith.constant 0 : index
    %get3A_37 = vector.load %arg2[%get3A_35, %get3A_36] : memref<4x2048xf32, #tpu.memory_space<vmem>>, vector<1x2048xf32>
    %get3A_38 = arith.constant 2 : index
    %get3A_39 = arith.constant 0 : index
    %get3A_40 = vector.load %arg2[%get3A_38, %get3A_39] : memref<4x2048xf32, #tpu.memory_space<vmem>>, vector<1x2048xf32>
    %get3A_41 = arith.constant 3 : index
    %get3A_42 = arith.constant 0 : index
    %get3A_43 = vector.load %arg2[%get3A_41, %get3A_42] : memref<4x2048xf32, #tpu.memory_space<vmem>>, vector<1x2048xf32>
    %min3A = arith.minimumf %get3A_40, %reshape3A_27 : vector<1x2048xf32>
    %max3A = arith.maximumf %get3A_34, %reshape3A : vector<1x2048xf32>
    %sub3A_44 = arith.subf %min3A, %max3A : vector<1x2048xf32>
    %max3A_45 = arith.constant 0.000000e+00 : f32
    %max3A_46 = vector.broadcast %max3A_45 : f32 to vector<1x2048xf32>
    %max3A_47 = arith.maximumf %sub3A_44, %max3A_46 : vector<1x2048xf32>
    %min3A_48 = arith.minimumf %get3A_43, %reshape3A_31 : vector<1x2048xf32>
    %max3A_49 = arith.maximumf %get3A_37, %reshape3A_23 : vector<1x2048xf32>
    %sub3A_50 = arith.subf %min3A_48, %max3A_49 : vector<1x2048xf32>
    %max3A_51 = arith.constant 0.000000e+00 : f32
    %max3A_52 = vector.broadcast %max3A_51 : f32 to vector<1x2048xf32>
    %max3A_53 = arith.maximumf %sub3A_50, %max3A_52 : vector<1x2048xf32>
    %sub3A_54 = arith.subf %reshape3A_27, %reshape3A : vector<1x2048xf32>
    %abs3A_55 = math.absf %sub3A_54 : vector<1x2048xf32>
    %sub3A_56 = arith.subf %reshape3A_31, %reshape3A_23 : vector<1x2048xf32>
    %abs3A_57 = math.absf %sub3A_56 : vector<1x2048xf32>
    %mul3A_58 = arith.mulf %abs3A_55, %abs3A_57 : vector<1x2048xf32>
    %mul3A_59 = arith.mulf %max3A_47, %max3A_53 : vector<1x2048xf32>
    %div3A = arith.divf %mul3A_59, %mul3A_58 : vector<1x2048xf32>
    %swap3A = arith.constant 0 : index
    %swap3A_60 = arith.constant 0 : index
    %swap3A_61 = memref.load %arg4[%swap3A, %swap3A_60] : memref<1x2xf32, #tpu.memory_space<smem>>
    memref.store %reduce_sum3A_16, %arg4[%swap3A, %swap3A_60] : memref<1x2xf32, #tpu.memory_space<smem>>
    %gt3A = arith.constant 5.000000e-01 : f32
    %gt3A_62 = vector.broadcast %gt3A : f32 to vector<1x2048xf32>
    %gt3A_63 = arith.cmpf ogt, %div3A, %gt3A_62 : vector<1x2048xf32>
    %sub3A_64 = arith.constant 5.000000e-01 : f32
    %sub3A_65 = vector.broadcast %sub3A_64 : f32 to vector<1x2048xf32>
    %sub3A_66 = arith.subf %div3A, %sub3A_65 : vector<1x2048xf32>
    %div3A_67 = arith.constant 1.19314718 : f32
    %div3A_68 = vector.broadcast %div3A_67 : f32 to vector<1x2048xf32>
    %div3A_69 = arith.divf %sub3A_66, %div3A_68 : vector<1x2048xf32>
    %sub3A_70 = arith.constant 1.000000e+00 : f32
    %sub3A_71 = vector.broadcast %sub3A_70 : f32 to vector<1x2048xf32>
    %sub3A_72 = arith.subf %sub3A_71, %div3A : vector<1x2048xf32>
    %max3A_73 = arith.constant 1.000000e-07 : f32
    %max3A_74 = vector.broadcast %max3A_73 : f32 to vector<1x2048xf32>
    %max3A_75 = arith.maximumf %sub3A_72, %max3A_74 : vector<1x2048xf32>
    %log3A = math.log %max3A_75 : vector<1x2048xf32>
    %neg3A = arith.constant 0.000000e+00 : f32
    %neg3A_76 = vector.broadcast %neg3A : f32 to vector<1x2048xf32>
    %neg3A_77 = arith.subf %neg3A_76, %log3A : vector<1x2048xf32>
    %select_n3A_78 = arith.select %gt3A_63, %div3A_69, %neg3A_77 : vector<1x2048xi1>, vector<1x2048xf32>
    %reduce_sum3A_79 = vector.shape_cast %select_n3A_78 : vector<1x2048xf32> to vector<1x1x2048xf32>
    %reduce_sum3A_80 = arith.constant dense<0.000000e+00> : vector<1xf32>
    %reduce_sum3A_81 = vector.multi_reduction <add>, %reduce_sum3A_79, %reduce_sum3A_80 [1, 2] : vector<1x1x2048xf32> to vector<1xf32>
    %reduce_sum3A_82 = vector.shape_cast %reduce_sum3A_81 : vector<1xf32> to vector<1x1x1xf32>
    %reduce_sum3A_83 = vector.extract %reduce_sum3A_82[0, 0, 0] : f32 from vector<1x1x1xf32>
    %swap3A_84 = arith.constant 0 : index
    %swap3A_85 = arith.constant 1 : index
    %swap3A_86 = memref.load %arg4[%swap3A_84, %swap3A_85] : memref<1x2xf32, #tpu.memory_space<smem>>
    memref.store %reduce_sum3A_83, %arg4[%swap3A_84, %swap3A_85] : memref<1x2xf32, #tpu.memory_space<smem>>
    return
  }
}

</mosaic_0001>

<sc_bundles>
// kernel: kernel.6.cloned.1.call-start
scs
__scs_entry_jumppad:
0x0: {  	(pc) =	sbr.rel $0x88, $3  }
0x1: {  	(tag) =	ssettag $0x0;
	lr =	simm.s32 $0x1  }
0x2: {  	[smem:$0x3F9F] =	sst lr;
	_ =	strace $0xD0000000  }
0x3: {  	_ = 	snop  }
0x4: {  	_ = 	snop  }
0x5: {  	_ = 	snop  }
0x6: {  	_ = 	snop  }
0x7: {  	_ = 	snop  }
__scs_overlays_trampoline_lowered:
0x8: {  	[smem:$0x3FAE] =	sst s0  }
0x9: {  	[smem:$0x3FAF] =	sst s1  }
0xa: {  	[smem:$0x3FB0] =	sst s2  }
0xb: {  	[smem:$0x3FB1] =	sst s3  }
0xc: {  	[smem:$0x3FB2] =	sst s4  }
0xd: {  	[smem:$0x3FB3] =	sst s5  }
0xe: {  	[smem:$0x3FB4] =	sst s6  }
0xf: {  	[smem:$0x3FB5] =	sst s7  }
0x10: {  	[smem:$0x3FB6] =	sst s8  }
0x11: {  	[smem:$0x3FB7] =	sst s9;
	s0 =	simm.s32 @!p0 $0x0  }
0x12: {  	s1 =	sld [smem:$0x3F9D];
	s0 =	simm.s32 @p0 $0x1  }
0x13: {  	[smem:$0x3FB8] =	sst s0;
	s0 =	simm.s32 @!p1 $0x0  }
0x14: {  	s2 =	sld [smem:$0x3F9C];
	s0 =	simm.s32 @p1 $0x1  }
0x15: {  	[smem:$0x3FB9] =	sst s0;
	s0 =	simm.s32 @!p2 $0x0  }
0x16: {  	s3 =	sld [smem:$0x3FDB];
	s0 =	simm.s32 @p2 $0x1  }
0x17: {  	s4 =	simm.s32 $0x1BF5;
	[smem:$0x3FBB] =	sst s0  }
0x18: {  	s0 =	sld [smem:$0x3F9E];
	_ =	swait.ge [sflag:s4], $0x0  }
0x19: {  	s7 =	sld [smem:$0x3F9F]  }
0x1a: {  	s8 =	sadd.s32 $0xFFFFE003, lr  }
0x1b: {  	s9 =	sadd.s32 $0xFFFFFEF7, lr;
	s5 =	simm.s32 $0xFFFFFFFF;
	p2 =	slt.u32 s8, $0xFFFFF086  }
0x1c: {  	p1 =	slt.u32 s9, $0xF7A;
	s5 =	simm.s32 @!p2 $0x0  }
0x1d: {  	s5 =	simm.s32 @p1 $0x1;
	p0 =	seq.s32 s7, s2  }
0x1e: {  	s7 =	smul.u32 @!p0 $0xF7A, s2;
	p2 =	seq.s32 @!p0 s5, $0x0  }
0x1f: {  	s9 =	smul.u32 $0xF7A, s1;
	s8 =	simm.s32 @!p0 $0x1BF5;
	p2 =	por !p2, p0  }
0x20: {  	[sflag:s8] =	ssyncset.s32 @!p0 $0xFFFFF086;
	s6 =	sadd.s32 @!p0 s3, s7;
	s7 =	simm.s32 @!p0 $0x108  }
0x21: {  	s3 =	sadd.s32 s3, s9;
	s6 =	sadd.s32 @!p0 $0x88, s6;
	s7 =	simm.s32 @p2 $0x1082  }
0x22: {  	[simem:s7], [sflag:s8] =	dma.local @!p0 [hbm:s6], $0xF7A  }
0x23: {  	s9 =	sor.u32 $0xD0000000, s2;
	s6 =	simm.s32 $0x108;
	_ =	swait.ge @!p0 [sflag:s8], $0x0  }
0x24: {  	s3 =	sadd.s32 $0x88, s3;
	s6 =	simm.s32 @!p1 $0x1082;
	[sflag:s4] =	ssyncset.s32 $0xFFFFF086  }
0x25: {  	[simem:s6], [sflag:s4] =	dma.local [hbm:s3], $0xF7A  }
0x26: {  	[smem:$0x3F9F] =	sst s1;
	(tag) =	ssettag s2;
	_ =	strace s9  }
0x27: {  	s1 =	sld [smem:$0x3FAF]  }
0x28: {  	s2 =	sld [smem:$0x3FB0]  }
0x29: {  	s4 =	sld [smem:$0x3FB2]  }
0x2a: {  	p0 =	seq.s32 s5, $0x0;
	s5 =	sld [smem:$0x3FB3]  }
0x2b: {  	s6 =	sld [smem:$0x3FB4]  }
0x2c: {  	s7 =	sld [smem:$0x3FB5]  }
0x2d: {  	s3 =	simm.s32 $0x108;
	s8 =	sld [smem:$0x3FB6]  }
0x2e: {  	s3 =	simm.s32 @!p0 $0x1082;
	s9 =	sld [smem:$0x3FB7]  }
0x2f: {  	lr =	sadd.s32 s0, s3;
	s0 =	sld [smem:$0x3FAE]  }
0x30: {  	s3 =	sld [smem:$0x3FB1]  }
0x31: {  	[smem:$0x3FBA] =	sst s10  }
0x32: {  	s10 =	sld [smem:$0x3FB8];
	_ =	sdelay $0x3  }
0x33: {  	p0 =	seq.s32 s10, $0x1;
	s10 =	sld [smem:$0x3FBA];
	_ =	sdelay $0x3  }
0x34: {  	[smem:$0x3FBA] =	sst s10  }
0x35: {  	s10 =	sld [smem:$0x3FB9];
	_ =	sdelay $0x3  }
0x36: {  	p1 =	seq.s32 s10, $0x1;
	s10 =	sld [smem:$0x3FBA];
	_ =	sdelay $0x3  }
0x37: {  	[smem:$0x3FBA] =	sst s10  }
0x38: {  	s10 =	sld [smem:$0x3FBB]  }
0x39: {  	_ = 	snop;
	(pc) =	sbr.ind lr, $3  }
0x3a: {  	_ = 	snop  }
0x3b: {  	_ = 	snop  }
0x3c: {  	p2 =	seq.s32 s10, $0x1;
	s10 =	sld [smem:$0x3FBA]  }
0x3d: {  	_ =	shalt  }
0x3e: {  	_ =	shalt  }
0x3f: {  	_ =	shalt  }
0x40: {  	_ =	shalt  }
0x41: {  	_ =	shalt  }
0x42: {  	_ =	shalt  }
0x43: {  	_ =	shalt  }
0x44: {  	_ =	shalt  }
0x45: {  	_ =	shalt  }
0x46: {  	_ =	shalt  }
0x47: {  	_ =	shalt  }
0x48: {  	_ =	shalt  }
0x49: {  	_ =	shalt  }
0x4a: {  	_ =	shalt  }
0x4b: {  	_ =	shalt  }
0x4c: {  	_ =	shalt  }
0x4d: {  	_ =	shalt  }
0x4e: {  	_ =	shalt  }
0x4f: {  	_ =	shalt  }
0x50: {  	_ =	shalt  }
0x51: {  	_ =	shalt  }
0x52: {  	_ =	shalt  }
0x53: {  	_ =	shalt  }
0x54: {  	_ =	shalt  }
0x55: {  	_ =	shalt  }
0x56: {  	_ =	shalt  }
0x57: {  	_ =	shalt  }
0x58: {  	_ =	shalt  }
0x59: {  	_ =	shalt  }
0x5a: {  	_ =	shalt  }
0x5b: {  	_ =	shalt  }
0x5c: {  	_ =	shalt  }
0x5d: {  	_ =	shalt  }
0x5e: {  	_ =	shalt  }
0x5f: {  	_ =	shalt  }
0x60: {  	_ =	shalt  }
0x61: {  	_ =	shalt  }
0x62: {  	_ =	shalt  }
0x63: {  	_ =	shalt  }
0x64: {  	_ =	shalt  }
0x65: {  	_ =	shalt  }
0x66: {  	_ =	shalt  }
0x67: {  	_ =	shalt  }
0x68: {  	_ =	shalt  }
0x69: {  	_ =	shalt  }
0x6a: {  	_ =	shalt  }
0x6b: {  	_ =	shalt  }
0x6c: {  	_ =	shalt  }
0x6d: {  	_ =	shalt  }
0x6e: {  	_ =	shalt  }
0x6f: {  	_ =	shalt  }
0x70: {  	_ =	shalt  }
0x71: {  	_ =	shalt  }
0x72: {  	_ =	shalt  }
0x73: {  	_ =	shalt  }
0x74: {  	_ =	shalt  }
0x75: {  	_ =	shalt  }
0x76: {  	_ =	shalt  }
0x77: {  	_ =	shalt  }
0x78: {  	_ =	shalt  }
0x79: {  	_ =	shalt  }
0x7a: {  	_ =	shalt  }
0x7b: {  	_ =	shalt  }
0x7c: {  	_ =	shalt  }
0x7d: {  	_ =	shalt  }
0x7e: {  	_ =	shalt  }
0x7f: {  	_ =	shalt  }
0x80: {  	_ =	shalt  }
0x81: {  	_ =	shalt  }
0x82: {  	_ =	shalt  }
0x83: {  	_ =	shalt  }
0x84: {  	_ =	shalt  }
0x85: {  	_ =	shalt  }
0x86: {  	_ =	shalt  }
0x87: {  	_ =	shalt  }
.Lfunc_end0:
.L_simem_size_0:
called_computation_lowered:
.L_overlay_start_0:
0x88: {  	s2 =	sld [smem:$0x3FD9]  }
0x89: {  	s3 =	sld [smem:$0x3FFE];
	_ =	sdelay $0x1  }
0x8a: {  	s1 =	srdreg.scid  }
0x8b: {  	s0 =	sand.u32 $0x1, s1  }
0x8c: {  	s16 =	sshll.u32 s0, $0xA;
	s2 =	sadd.s32 s3, s2  }
0x8d: {  	s2 =	sadd.s32 s2, s16  }
0x8e: {  	[smem:$0x3FC6] =	sst s2  }
0x8f: {  	_ = 	snop  }
0x90: {  	(tm) =	ssettm $0x1  }
0x91: {  	s17 =	sld [smem:$0x3FFB];
	_ =	sdelay $0x3  }
0x92: {  	_ =	strace s17  }
0x93: {  	s2 =	sld [smem:$0x3FFC];
	_ =	sdelay $0x3  }
0x94: {  	_ =	strace s2  }
0x95: {  	s2 =	sld [smem:$0x3FFD];
	_ =	sdelay $0x3  }
0x96: {  	_ =	strace s2  }
0x97: {  	_ =	strace $0x8FFFFFFF  }
0x98: {  	s18 =	sld [smem:$0x3FDB];
	_ =	sdelay $0x1  }
0x99: {  	s19 =	simm.s32 $_scs_section_size  }
0x9a: {  	s4 =	simm.s32 $_size__tile_overlayer_lowered;
	s5 =	simm.s32 $_tile_overlayer_lowered  }
0x9b: {  	s22 =	simm.s32 $0x1BFF;
	s21 =	sshll.u32 s5, $0x1;
	s2 =	sadd.s32 s19, s18  }
0x9c: {  	s6 =	simm.s32 $0x0;
	s20 =	sshll.u32 s4, $0x1;
	s4 =	sadd.s32 s21, s2  }
0x9d: {  	[timem:s6], [sflag:s22] =	dma.local [hbm:s4], s20  }
0x9e: {  	_ =	swait.ge [sflag:s22], s20  }
0x9f: {  	s3 =	ssub.s32 $0x0, s20;
	[sflag:s22] =	ssyncset.done $0x0  }
0xa0: {  	[sflag:s22] =	ssyncadd.s32 s3;
	_ =	sdelay $0x1  }
0xa1: {  	s23 =	simm.s32 $0x1B8B  }
0xa2: {  	_ =	swait.ge [sflag:s23], $0x1  }
0xa3: {  	[sflag:s23] =	ssyncset.done $0x0  }
0xa4: {  	s25 =	simm.s32 $0x1B8E;
	s24 =	sld [smem:$0x3FFE];
	[sflag:s23] =	ssyncadd.s32 $0xFFFFFFFF  }
0xa5: {  	s26 =	simm.s32 $execute0_lowered;
	[smem:$0x3FD2] =	sst s25  }
0xa6: {  	s4 =	sshll.u32 s26, $0x1;
	_ =	strace $0x80000046;
	[dreg:$0x1] =	wrdreg $0xFFFFFFFF  }
0xa7: {  	s28 =	simm.s32 $_size_execute0_lowered;
	s2 =	sadd.s32 s2, s4;
	[dreg:$0x0] =	wrdreg $0x0  }
0xa8: {  	s4 =	sshll.u32 s28, $0x1;
	[dreg:$0x2] =	wrdreg s2  }
0xa9: {  	[dreg:$0x3] =	wrdreg s4  }
0xaa: {  	[dreg:$0x4] =	wrdreg $0xC0  }
0xab: {  	_ =	task [dreg:s6], $0x5FFFF  }
0xac: {  	[dreg:$0x1] =	wrdreg $0xFFFFFFFF  }
0xad: {  	[dreg:$0x0] =	wrdreg $0x60  }
0xae: {  	[dreg:$0x2] =	wrdreg s24  }
0xaf: {  	[dreg:$0x3] =	wrdreg $0x9  }
0xb0: {  	_ =	task.clear_ibuf [dreg:s6], $0x4FFFF;
	_ =	strace $0x90000046  }
0xb1: {  	s29 =	simm.s32 $0x9;
	_ =	strace $0x80000048  }
0xb2: {  	_ =	swait.ge [sflag:s29], $0x1  }
0xb3: {  	[sflag:s29] =	ssyncadd.s32 $0xFFFFFFFF  }
0xb4: {  	_ =	strace $0x90000048  }
0xb5: {  	_ =	sfence  }
0xb6: {  	s30 =	sld [smem:$0x0];
	_ =	sdelay $0x2  }
0xb7: {  	s31 =	sshll.u32 s1, $0xD;
	s1 =	sshrl.u32 s1, $0x2  }
0xb8: {  	s3 =	sand.u32 $0x4000, s31;
	s1 =	sadd.s32 s1, s30  }
0xb9: {  	s0 =	sor.u32 s3, s0;
	s1 =	sshll.u32 s1, $0x11  }
0xba: {  	s0 =	sor.u32 s1, s0  }
0xbb: {  	s0 =	sadd.s32 $0x8F2B, s0  }
0xbc: {  	[sflag:s0] =	ssyncadd.remote.s32 $0x1  }
0xbd: {  	_ =	sfence.sel $0xFFFF  }
0xbe: {  	[dreg:$0x0] =	wrdreg $0xFFFFFFFF;
	(pc) =	sbr.abs _section_cstart, $3  }
0xbf: {  	[dreg:$0x1] =	wrdreg $0xFFFFFFFF  }
0xc0: {  	_ =	task.clear_ibuf [dreg:s6], $0x2FFFF;
	_ =	strace $0x9FFFFFFF  }
0xc1: {  	(tm) =	ssettm $0x7FFFFFFF  }
tec
execute0_lowered:
.L_overlay_start_1:
0x0: {  	(tag) =	ssettag $0x1  }
0x1: {  	s1 =	srdreg.scid  }
0x2: {  	s0 =	stileid.u32;
	s13 =	sand.u32 $0x1, s1  }
0x3: {  	s30 =	sshll.u32 s0, $0x7;
	s2 =	sshll.u32 s13, $0x6  }
0x4: {  	s14 =	rddreg [dreg:$0x0];
	s15 =	sor.u32 s2, s30  }
0x5: {  	s1 =	rddreg [dreg:$0x1];
	s2 =	simm.s32 $0x0;
	s3 =	sshrl.u32 s15, $0x3  }
0x6: {  	[smem:$0x7FF] =	sst s2;
	s5 =	sadd.s32 s3, s14  }
0x7: {  	_ =	strace $0x80000047;
	s3 =	simm.s32 $0x3;
	s4 =	sadd.s32 $0x1A00, s5  }
0x8: {  	[tilespmem:s2], [sflag:$0x3] =	stream.linear.gather [hbm4b:s4+s2], $0x40, $0x38;
	[tilespmem:$0x4100] =	vst v63  }
0x9: {  	_ =	swait.ge [sflag:s3], $0x40  }
0xa: {  	[sflag:s3] =	ssyncset.done $0x0  }
0xb: {  	s6 =	simm.s32 $0x2080;
	s5 =	sadd.s32 $0x1C00, s5;
	[sflag:s3] =	ssyncadd.s32 $0xFFFFFFC0  }
0xc: {  	[tilespmem:s6], [sflag:$0x3] =	stream.linear.gather [hbm4b:s5+s2], $0x40, $0x38;
	[tilespmem:$0x4100] =	vst v63  }
0xd: {  	_ =	swait.ge [sflag:s3], $0x40  }
0xe: {  	s8 =	simm.s32 $0x40;
	[sflag:s3] =	ssyncset.done $0x0  }
0xf: {  	s9 =	simm.s32 $0x80;
	s7 =	sadd.s32 $0x1E00, s14;
	[sflag:s3] =	ssyncadd.s32 $0xFFFFFFC0  }
0x10: {  	[tilespmem:s9], [sflag:$0x1] =	stream.indirect.gather [hbm4b:s7+s8], $0x80, s2, s8, $0xb8;
	[tilespmem:$0x4100] =	vst v63  }
0x11: {  	s10 =	simm.s32 $0x2100;
	s11 =	simm.s32 $0x1  }
0x12: {  	[tilespmem:s10], [sflag:$0x2] =	stream.indirect.gather [hbm4b:s7+s8], $0x80, s6, s8, $0xb8;
	[tilespmem:$0x4100] =	vst v63  }
0x13: {  	_ =	swait.ge [sflag:s11], $0x2000  }
0x14: {  	[sflag:s11] =	ssyncset.done $0x0  }
0x15: {  	s12 =	simm.s32 $0x2;
	s31 =	ssub.s32 $0x2, s13;
	[sflag:s11] =	ssyncadd.s32 $0xFFFFE000  }
0x16: {  	s16 =	sshrl.u32 s31, $0x1;
	s15 =	sshll.u32 s15, $0x4;
	_ =	swait.ge [sflag:s12], $0x2000  }
0x17: {  	s14 =	sadd.s32 s15, s14;
	s15 =	ssub.s32 s31, s16;
	[sflag:s12] =	ssyncset.done $0x0  }
0x18: {  	s13 =	sadd.s32 $0x3E00, s14;
	s15 =	smax.u32 s15, $0x1;
	[sflag:s12] =	ssyncadd.s32 $0xFFFFE000  }
0x19: {  	[hbm4b:s13+s2] =	stream.linear.scatter [tilespmem:s9], [sflag:$0x3], $0x2000, $0x38;
	[tilespmem:$0x4100] =	vst v63  }
0x1a: {  	p0 =	sne.s32 s15, $0x1;
	_ =	swait.ge [sflag:s3], $0x2000  }
.Ltmp0:
0x1b: {  	[sflag:s3] =	ssyncset.done $0x0;
	(pc) =	sbr.rel @!p0 .LBB2_2-.Ltmp0, $4  }
0x1c: {  	s14 =	sadd.s32 $0xBE00, s14;
	[sflag:s3] =	ssyncadd.s32 $0xFFFFE000  }
0x1d: {  	[hbm4b:s14+s2] =	stream.linear.scatter [tilespmem:s10], [sflag:$0x3], $0x2000, $0x38;
	[tilespmem:$0x4100] =	vst v63  }
0x1e: {  	_ =	swait.ge [sflag:s3], $0x2000  }
0x1f: {  	s15 =	sadd.s32 $0xFFFFFFFF, s15;
	[sflag:s3] =	ssyncset.done $0x0  }
.LBB2_1:
0x20: {  	p0 =	sne.s32 s15, $0x1;
	s15 =	sadd.s32 $0xFFFFFFFF, s15;
	[sflag:s3] =	ssyncadd.s32 $0xFFFFE000  }
0x21: {  	[tilespmem:s2], [sflag:$0x3] =	stream.linear.gather [hbm4b:s4+s2], $0x40, $0x38;
	[tilespmem:$0x4100] =	vst v63  }
0x22: {  	_ =	swait.ge [sflag:s3], $0x40  }
0x23: {  	[sflag:s3] =	ssyncset.done $0x0  }
0x24: {  	[sflag:s3] =	ssyncadd.s32 $0xFFFFFFC0  }
0x25: {  	[tilespmem:s6], [sflag:$0x3] =	stream.linear.gather [hbm4b:s5+s2], $0x40, $0x38;
	[tilespmem:$0x4100] =	vst v63  }
0x26: {  	_ =	swait.ge [sflag:s3], $0x40  }
0x27: {  	[sflag:s3] =	ssyncset.done $0x0  }
0x28: {  	[sflag:s3] =	ssyncadd.s32 $0xFFFFFFC0  }
0x29: {  	[tilespmem:s9], [sflag:$0x1] =	stream.indirect.gather [hbm4b:s7+s8], $0x80, s2, s8, $0xb8;
	[tilespmem:$0x4100] =	vst v63  }
0x2a: {  	_ = 	snop  }
0x2b: {  	[tilespmem:s10], [sflag:$0x2] =	stream.indirect.gather [hbm4b:s7+s8], $0x80, s6, s8, $0xb8;
	[tilespmem:$0x4100] =	vst v63  }
0x2c: {  	_ =	swait.ge [sflag:s11], $0x2000  }
0x2d: {  	[sflag:s11] =	ssyncset.done $0x0  }
0x2e: {  	[sflag:s11] =	ssyncadd.s32 $0xFFFFE000  }
0x2f: {  	_ =	swait.ge [sflag:s12], $0x2000  }
0x30: {  	[sflag:s12] =	ssyncset.done $0x0  }
0x31: {  	[sflag:s12] =	ssyncadd.s32 $0xFFFFE000  }
0x32: {  	[hbm4b:s13+s2] =	stream.linear.scatter [tilespmem:s9], [sflag:$0x3], $0x2000, $0x38;
	[tilespmem:$0x4100] =	vst v63  }
0x33: {  	_ =	swait.ge [sflag:s3], $0x2000  }
.Ltmp1:
0x34: {  	[sflag:s3] =	ssyncset.done $0x0;
	(pc) =	sbr.rel @p0 .LBB2_1-.Ltmp1, $4  }
0x35: {  	[sflag:s3] =	ssyncadd.s32 $0xFFFFE000  }
0x36: {  	[hbm4b:s14+s2] =	stream.linear.scatter [tilespmem:s10], [sflag:$0x3], $0x2000, $0x38;
	[tilespmem:$0x4100] =	vst v63  }
0x37: {  	_ =	swait.ge [sflag:s3], $0x2000  }
0x38: {  	[sflag:s3] =	ssyncset.done $0x0  }
.LBB2_2:
0x39: {  	[sflag:s3] =	ssyncadd.s32 $0xFFFFE000  }
0x3a: {  	_ =	sfence.sel $0x180000  }
0x3b: {  	[bflag:$0x0] =	sbarrier.arrive $0xFFFF  }
0x3c: {  	p0 =	sne.s32 s0, $0x0;
	_ =	strace $0x90000047  }
0x3d: {  	s0 =	sadd.s32 @!p0 $0x100000, s1;
	[bflag:$0x2] =	sbarrier.arrive $0xFFFF  }
0x3e: {  	[sflag:s0] =	ssyncadd.tile.s32 @!p0 $0x1;
	_ =	shalt  }
.Lfunc_end2:
_tile_overlayer_lowered:
.L_overlay_start_2:
0x3f: {  	(tag) =	ssettag $0x2  }
0x40: {  	s0 =	rddreg [dreg:$0x0];
	s2 =	stileid.u32  }
0x41: {  	s1 =	rddreg [dreg:$0x1];
	p0 =	sne.s32 s2, $0x0  }
0x42: {  	s3 =	rddreg [dreg:$0x2];
	[bflag:$0x3] =	sbarrier.arrive $0xFFFF;
	s2 =	simm.s32 @!p0 $0x1C03  }
0x43: {  	[timem:s3], [sflag:s2] =	dma.local @!p0 [hbm:s0], s1  }
0x44: {  	s0 =	simm.s32 @!p0 $0x3  }
0x45: {  	_ =	swait.ge @!p0 [sflag:s0], s1  }
0x46: {  	s1 =	ssub.s32 @!p0 $0x0, s1;
	[sflag:s0] =	ssyncset.done @!p0 $0x0  }
0x47: {  	[sflag:s0] =	ssyncadd.s32 @!p0 s1  }
0x48: {  	[bflag:$0x3] =	sbarrier.arrive $0xFFFF  }
0x49: {  	_ =	shalt  }

</sc_bundles>
